<compile_context>
chip_gen: v7x
topology: tpu7x:2x2x1
jax: 0.10.2.dev20260603
libtpu: 0.0.44.dev20260713+nightly
codegen_flags: <defaults>
</compile_context>

<pallas_src>
import functools

import jax
import jax.numpy as jnp
from jax import lax
from jax.experimental import pallas as pl
from jax.experimental.pallas import tpu as pltpu
from jax.experimental.pallas import tpu_sc as plsc

_TN = 2048


def _gather_rows(table_t_flat, idx, E, V):
    B = idx.shape[0]
    info = plsc.get_sparse_core_info()
    nw = info.num_cores * info.num_subcores
    b_per_w = B // nw
    e_per_w = b_per_w * E
    mesh = plsc.VectorSubcoreMesh(core_axis_name="c", subcore_axis_name="s")

    @functools.partial(
        pl.kernel,
        mesh=mesh,
        out_type=jax.ShapeDtypeStruct((B * E // 128, 128), jnp.float32),
        scratch_types=[
            pltpu.VMEM((b_per_w,), jnp.int32),
            pltpu.VMEM((e_per_w // 128, 128), jnp.int32),
            pltpu.VMEM((e_per_w // 128, 128), jnp.float32),
            pltpu.SemaphoreType.DMA,
        ],
        compiler_params=pltpu.CompilerParams(
            use_tc_tiling_on_sc=False, needs_layout_passes=False),
    )
    def gather_k(table_hbm, idx_hbm, out_hbm, idx_v, off_v, rows_v, sem):
        wid = lax.axis_index("s") * info.num_cores + lax.axis_index("c")
        pltpu.sync_copy(idx_hbm.at[pl.ds(wid * b_per_w, b_per_w)], idx_v)
        for g in range(b_per_w // 16):
            vi = idx_v[pl.ds(g * 16, 16)]
            for r in range(E):
                p = g * (E * 16) + r * 16
                off_v[p // 128, pl.ds(p % 128, 16)] = vi + r * V
        copies = [
            pltpu.async_copy(table_hbm.at[off_v.at[j]], rows_v.at[j], sem)
            for j in range(e_per_w // 128)
        ]
        for cp in copies:
            cp.wait()
        nr = e_per_w // 128
        pltpu.sync_copy(rows_v, out_hbm.at[pl.ds(wid * nr, nr)])

    return gather_k(table_t_flat, idx)


def _lse_body(N, NT, x_ref, wt_ref, lse_ref, s_ref):
    k = pl.program_id(0)
    l = jnp.dot(x_ref[...], wt_ref[...], preferred_element_type=jnp.float32)

    @pl.when(k == 0)
    def _():
        s_ref[...] = jnp.exp(l)

    @pl.when((k > 0) & (k < NT - 1))
    def _():
        s_ref[...] = s_ref[...] + jnp.exp(l)

    @pl.when(k == NT - 1)
    def _():
        cols = k * _TN + lax.broadcasted_iota(jnp.int32, l.shape, 1)
        e = jnp.where(cols < N, jnp.exp(l), 0.0)
        s = jnp.sum(s_ref[...] + e, axis=1, keepdims=True)
        lse_ref[...] = jnp.log(s)


def _out_body(xt_ref, wt_ref, lse_ref, o_ref):
    lT = lax.dot_general(wt_ref[...], xt_ref[...], (((0,), (0,)), ((), ())),
                         preferred_element_type=jnp.float32)
    o_ref[...] = lT - lse_ref[...]


def kernel(user, item, text, user_emb, item_emb, word_emb, W, b):
    del user, item, user_emb, item_emb
    B = text.shape[1]
    N, E = W.shape

    idx = text[-1].astype(jnp.int32)
    V = word_emb.shape[0]
    wef = word_emb.T.reshape(-1)
    xg = _gather_rows(wef, idx, E, V)
    x = xg.reshape(B // 16, E, 16).transpose(0, 2, 1).reshape(B, E)
    E2 = E + 1
    xb = jnp.concatenate(
        [x, jnp.ones((B, 1), jnp.float32)], axis=1).astype(jnp.bfloat16)
    xtb = xb.T
    wt = jnp.concatenate(
        [W.T, b.reshape(1, N)], axis=0).astype(jnp.bfloat16)

    NT = pl.cdiv(N, _TN)

    lse = pl.pallas_call(
        functools.partial(_lse_body, N, NT),
        grid=(NT,),
        in_specs=[
            pl.BlockSpec((B, E2), lambda k: (0, 0)),
            pl.BlockSpec((E2, _TN), lambda k: (0, k)),
        ],
        out_specs=pl.BlockSpec((B, 1), lambda k: (0, 0)),
        out_shape=jax.ShapeDtypeStruct((B, 1), jnp.float32),
        scratch_shapes=[
            pltpu.VMEM((B, _TN), jnp.float32),
        ],
    )(xb, wt)

    lse_row = lse.reshape(1, B)

    outT = pl.pallas_call(
        _out_body,
        grid=(NT,),
        in_specs=[
            pl.BlockSpec((E2, B), lambda k: (0, 0)),
            pl.BlockSpec((E2, _TN), lambda k: (0, k)),
            pl.BlockSpec((1, B), lambda k: (0, 0)),
        ],
        out_specs=pl.BlockSpec((_TN, B), lambda k: (k, 0)),
        out_shape=jax.ShapeDtypeStruct((N, B), jnp.float32),
    )(xtb, wt, lse_row)

    return outT.T

# --- scband reference (transcript-rebuilt; emitter-appended) ---
"""Pipeline reference for scband-base-model-36172214567725 (READ-ONLY COPY).

The authoritative reference and input builder live on the scoring server;
editing this copy changes nothing except your own understanding.
"""

import jax, jax.numpy as jnp
import numpy as np

NUSER = 100000
NITEM = 100000
NTOKEN = 100000
EMSIZE = 64
BATCH = 1024
SEQ = 20
PAD_IDX = 0


def setup_inputs(seed: int = 0) -> dict:
    key = jax.random.key(seed)
    ks = jax.random.split(key, 8)
    user = jax.random.randint(ks[0], (BATCH,), 0, NUSER, dtype=jnp.int64 if jax.config.jax_enable_x64 else jnp.int32)
    item = jax.random.randint(ks[1], (BATCH,), 0, NITEM, dtype=jnp.int64 if jax.config.jax_enable_x64 else jnp.int32)
    text = jax.random.randint(ks[2], (SEQ, BATCH), 0, NTOKEN, dtype=jnp.int64 if jax.config.jax_enable_x64 else jnp.int32)
    # learned parameters, initialized per init_weights (uniform(-0.1, 0.1), padding rows zeroed)
    user_emb = jax.random.uniform(ks[3], (NUSER, EMSIZE), minval=-0.1, maxval=0.1, dtype=jnp.float32)
    item_emb = jax.random.uniform(ks[4], (NITEM, EMSIZE), minval=-0.1, maxval=0.1, dtype=jnp.float32).at[PAD_IDX].set(0.0)
    word_emb = jax.random.uniform(ks[5], (NTOKEN, EMSIZE), minval=-0.1, maxval=0.1, dtype=jnp.float32).at[PAD_IDX].set(0.0)
    W = jax.random.uniform(ks[6], (NTOKEN, EMSIZE), minval=-0.1, maxval=0.1, dtype=jnp.float32)  # hidden2token weight [out, in]
    b = jnp.zeros((NTOKEN,), dtype=jnp.float32)  # hidden2token bias, zero-initialized
    return {"user": user, "item": item, "text": text,
            "user_emb": user_emb, "item_emb": item_emb, "word_emb": word_emb,
            "W": W, "b": b}


def reference(user, item, text, user_emb, item_emb, word_emb, W, b):
    # Embedding lookups (gathers)
    u = jnp.take(user_emb, user, axis=0)            # [B, E]
    i = jnp.take(item_emb, item, axis=0)            # [B, E]
    w = jnp.take(word_emb, text, axis=0)            # [S, B, E]
    # src sequence = [user; item; words], sequence-first like the torch model
    hidden = jnp.concatenate([u[None, :, :], i[None, :, :], w], axis=0)  # [S+2, B, E]
    # generate_token: hidden2token on last position + log_softmax
    logits = hidden[-1] @ W.T + b                   # [B, ntoken]
    log_word_prob = jax.nn.log_softmax(logits, axis=-1)
    return log_word_prob

if __name__ == "__main__":
    import jax
    _d = setup_inputs()
    print(jax.jit(kernel)(*tuple(_d.values())))

</pallas_src>

<mosaic_0001>
#map = affine_map<(d0, d1) -> (0)>
#map1 = affine_map<(d0, d1) -> (0, 0)>
module attributes {stable_mosaic.version = 14 : i64} {
  func.func @gather_k(%arg0: i32, %arg1: i32, %arg2: memref<6400000xf32, #tpu.memory_space<hbm>>, %arg3: memref<1024xi32, #tpu.memory_space<hbm>>, %arg4: memref<512x128xf32, #tpu.memory_space<hbm>>, %arg5: memref<32xi32, #tpu.memory_space<vmem>>, %arg6: memref<16x128xi32, #tpu.memory_space<vmem>>, %arg7: memref<16x128xf32, #tpu.memory_space<vmem>>, %arg8: memref<!tpu.dma_semaphore, #tpu.memory_space<semaphore_mem>>) attributes {dimension_semantics = [#tpu.dimension_semantics<core_parallel>, #tpu.dimension_semantics<subcore_parallel>], iteration_bounds = array<i64: 2, 16>, scalar_prefetch = 0 : i64, scratch_operands = 4 : i64, tpu.core_type = #tpu.core_type<sc_vector_subcore>, window_params = [{transform_indices = #map}, {transform_indices = #map}, {transform_indices = #map1}]} {
    %mul3A = arith.constant 2 : i32
    %mul3A_0 = arith.muli %arg1, %mul3A : i32
    %add3A = arith.addi %mul3A_0, %arg0 : i32
    %mul3A_1 = arith.constant 32 : i32
    %mul3A_2 = arith.muli %add3A, %mul3A_1 : i32
    "tpu.region"() ({
      %run_scoped3A = tpu.sem_alloc : memref<!tpu.dma_semaphore, #tpu.memory_space<semaphore_mem>>
      %dma_start3A_1221 = tpu.memref_slice %arg3[%mul3A_2] : memref<1024xi32, #tpu.memory_space<hbm>> -> memref<32xi32, #tpu.memory_space<hbm>>
      %dma_start3A_1222 = tpu.memref_slice %arg3[%mul3A_2] : memref<1024xi32, #tpu.memory_space<hbm>> -> memref<32xi32, #tpu.memory_space<hbm>>
      tpu.enqueue_dma source(%dma_start3A_1222 : memref<32xi32, #tpu.memory_space<hbm>>) target(%arg5 : memref<32xi32, #tpu.memory_space<vmem>>) target_semaphore(%run_scoped3A : memref<!tpu.dma_semaphore, #tpu.memory_space<semaphore_mem>>)
      %dma_wait3A_1223 = tpu.memref_slice %arg3[%mul3A_2] : memref<1024xi32, #tpu.memory_space<hbm>> -> memref<32xi32, #tpu.memory_space<hbm>>
      %dma_wait3A_1224 = tpu.memref_slice %arg3[%mul3A_2] : memref<1024xi32, #tpu.memory_space<hbm>> -> memref<32xi32, #tpu.memory_space<hbm>>
      tpu.wait_dma2 semaphore(%run_scoped3A : memref<!tpu.dma_semaphore, #tpu.memory_space<semaphore_mem>>) src(%dma_wait3A_1224 : memref<32xi32, #tpu.memory_space<hbm>>) dst(%arg5 : memref<32xi32, #tpu.memory_space<vmem>>)
      tpu.yield
    }) : () -> ()
    %get3A = arith.constant 0 : index
    %get3A_3 = tpu.vector_load %arg5[%get3A] {strides = array<i32>} : memref<32xi32, #tpu.memory_space<vmem>>, vector<16xi32>,
    %add3A_4 = arith.constant 0 : i32
    %add3A_5 = vector.broadcast %add3A_4 : i32 to vector<16xi32>
    %add3A_6 = arith.addi %get3A_3, %add3A_5 : vector<16xi32>
    %swap3A = arith.constant 0 : i32
    %swap3A_7 = arith.index_cast %swap3A : i32 to index
    %swap3A_8 = arith.constant 0 : index
    %swap3A_9 = tpu.vector_load %arg6[%swap3A_7, %swap3A_8] {strides = array<i32>} : memref<16x128xi32, #tpu.memory_space<vmem>>, vector<16xi32>,
    tpu.vector_store %arg6[%swap3A_7, %swap3A_8], %add3A_6 {strides = array<i32>} : memref<16x128xi32, #tpu.memory_space<vmem>>, vector<16xi32>,
    %add3A_10 = arith.constant 100000 : i32
    %add3A_11 = vector.broadcast %add3A_10 : i32 to vector<16xi32>
    %add3A_12 = arith.addi %get3A_3, %add3A_11 : vector<16xi32>
    %swap3A_13 = arith.constant 0 : i32
    %swap3A_14 = arith.index_cast %swap3A_13 : i32 to index
    %swap3A_15 = arith.constant 16 : index
    %swap3A_16 = tpu.vector_load %arg6[%swap3A_14, %swap3A_15] {strides = array<i32>} : memref<16x128xi32, #tpu.memory_space<vmem>>, vector<16xi32>,
    tpu.vector_store %arg6[%swap3A_14, %swap3A_15], %add3A_12 {strides = array<i32>} : memref<16x128xi32, #tpu.memory_space<vmem>>, vector<16xi32>,
    %add3A_17 = arith.constant 200000 : i32
    %add3A_18 = vector.broadcast %add3A_17 : i32 to vector<16xi32>
    %add3A_19 = arith.addi %get3A_3, %add3A_18 : vector<16xi32>
    %swap3A_20 = arith.constant 0 : i32
    %swap3A_21 = arith.index_cast %swap3A_20 : i32 to index
    %swap3A_22 = arith.constant 32 : index
    %swap3A_23 = tpu.vector_load %arg6[%swap3A_21, %swap3A_22] {strides = array<i32>} : memref<16x128xi32, #tpu.memory_space<vmem>>, vector<16xi32>,
    tpu.vector_store %arg6[%swap3A_21, %swap3A_22], %add3A_19 {strides = array<i32>} : memref<16x128xi32, #tpu.memory_space<vmem>>, vector<16xi32>,
    %add3A_24 = arith.constant 300000 : i32
    %add3A_25 = vector.broadcast %add3A_24 : i32 to vector<16xi32>
    %add3A_26 = arith.addi %get3A_3, %add3A_25 : vector<16xi32>
    %swap3A_27 = arith.constant 0 : i32
    %swap3A_28 = arith.index_cast %swap3A_27 : i32 to index
    %swap3A_29 = arith.constant 48 : index
    %swap3A_30 = tpu.vector_load %arg6[%swap3A_28, %swap3A_29] {strides = array<i32>} : memref<16x128xi32, #tpu.memory_space<vmem>>, vector<16xi32>,
    tpu.vector_store %arg6[%swap3A_28, %swap3A_29], %add3A_26 {strides = array<i32>} : memref<16x128xi32, #tpu.memory_space<vmem>>, vector<16xi32>,
    %add3A_31 = arith.constant 400000 : i32
    %add3A_32 = vector.broadcast %add3A_31 : i32 to vector<16xi32>
    %add3A_33 = arith.addi %get3A_3, %add3A_32 : vector<16xi32>
    %swap3A_34 = arith.constant 0 : i32
    %swap3A_35 = arith.index_cast %swap3A_34 : i32 to index
    %swap3A_36 = arith.constant 64 : index
    %swap3A_37 = tpu.vector_load %arg6[%swap3A_35, %swap3A_36] {strides = array<i32>} : memref<16x128xi32, #tpu.memory_space<vmem>>, vector<16xi32>,
    tpu.vector_store %arg6[%swap3A_35, %swap3A_36], %add3A_33 {strides = array<i32>} : memref<16x128xi32, #tpu.memory_space<vmem>>, vector<16xi32>,
    %add3A_38 = arith.constant 500000 : i32
    %add3A_39 = vector.broadcast %add3A_38 : i32 to vector<16xi32>
    %add3A_40 = arith.addi %get3A_3, %add3A_39 : vector<16xi32>
    %swap3A_41 = arith.constant 0 : i32
    %swap3A_42 = arith.index_cast %swap3A_41 : i32 to index
    %swap3A_43 = arith.constant 80 : index
    %swap3A_44 = tpu.vector_load %arg6[%swap3A_42, %swap3A_43] {strides = array<i32>} : memref<16x128xi32, #tpu.memory_space<vmem>>, vector<16xi32>,
    tpu.vector_store %arg6[%swap3A_42, %swap3A_43], %add3A_40 {strides = array<i32>} : memref<16x128xi32, #tpu.memory_space<vmem>>, vector<16xi32>,
    %add3A_45 = arith.constant 600000 : i32
    %add3A_46 = vector.broadcast %add3A_45 : i32 to vector<16xi32>
    %add3A_47 = arith.addi %get3A_3, %add3A_46 : vector<16xi32>
    %swap3A_48 = arith.constant 0 : i32
    %swap3A_49 = arith.index_cast %swap3A_48 : i32 to index
    %swap3A_50 = arith.constant 96 : index
    %swap3A_51 = tpu.vector_load %arg6[%swap3A_49, %swap3A_50] {strides = array<i32>} : memref<16x128xi32, #tpu.memory_space<vmem>>, vector<16xi32>,
    tpu.vector_store %arg6[%swap3A_49, %swap3A_50], %add3A_47 {strides = array<i32>} : memref<16x128xi32, #tpu.memory_space<vmem>>, vector<16xi32>,
    %add3A_52 = arith.constant 700000 : i32
    %add3A_53 = vector.broadcast %add3A_52 : i32 to vector<16xi32>
    %add3A_54 = arith.addi %get3A_3, %add3A_53 : vector<16xi32>
    %swap3A_55 = arith.constant 0 : i32
    %swap3A_56 = arith.index_cast %swap3A_55 : i32 to index
    %swap3A_57 = arith.constant 112 : index
    %swap3A_58 = tpu.vector_load %arg6[%swap3A_56, %swap3A_57] {strides = array<i32>} : memref<16x128xi32, #tpu.memory_space<vmem>>, vector<16xi32>,
    tpu.vector_store %arg6[%swap3A_56, %swap3A_57], %add3A_54 {strides = array<i32>} : memref<16x128xi32, #tpu.memory_space<vmem>>, vector<16xi32>,
    %add3A_59 = arith.constant 800000 : i32
    %add3A_60 = vector.broadcast %add3A_59 : i32 to vector<16xi32>
    %add3A_61 = arith.addi %get3A_3, %add3A_60 : vector<16xi32>
    %swap3A_62 = arith.constant 1 : i32
    %swap3A_63 = arith.index_cast %swap3A_62 : i32 to index
    %swap3A_64 = arith.constant 0 : index
    %swap3A_65 = tpu.vector_load %arg6[%swap3A_63, %swap3A_64] {strides = array<i32>} : memref<16x128xi32, #tpu.memory_space<vmem>>, vector<16xi32>,
    tpu.vector_store %arg6[%swap3A_63, %swap3A_64], %add3A_61 {strides = array<i32>} : memref<16x128xi32, #tpu.memory_space<vmem>>, vector<16xi32>,
    %add3A_66 = arith.constant 900000 : i32
    %add3A_67 = vector.broadcast %add3A_66 : i32 to vector<16xi32>
    %add3A_68 = arith.addi %get3A_3, %add3A_67 : vector<16xi32>
    %swap3A_69 = arith.constant 1 : i32
    %swap3A_70 = arith.index_cast %swap3A_69 : i32 to index
    %swap3A_71 = arith.constant 16 : index
    %swap3A_72 = tpu.vector_load %arg6[%swap3A_70, %swap3A_71] {strides = array<i32>} : memref<16x128xi32, #tpu.memory_space<vmem>>, vector<16xi32>,
    tpu.vector_store %arg6[%swap3A_70, %swap3A_71], %add3A_68 {strides = array<i32>} : memref<16x128xi32, #tpu.memory_space<vmem>>, vector<16xi32>,
    %add3A_73 = arith.constant 1000000 : i32
    %add3A_74 = vector.broadcast %add3A_73 : i32 to vector<16xi32>
    %add3A_75 = arith.addi %get3A_3, %add3A_74 : vector<16xi32>
    %swap3A_76 = arith.constant 1 : i32
    %swap3A_77 = arith.index_cast %swap3A_76 : i32 to index
    %swap3A_78 = arith.constant 32 : index
    %swap3A_79 = tpu.vector_load %arg6[%swap3A_77, %swap3A_78] {strides = array<i32>} : memref<16x128xi32, #tpu.memory_space<vmem>>, vector<16xi32>,
    tpu.vector_store %arg6[%swap3A_77, %swap3A_78], %add3A_75 {strides = array<i32>} : memref<16x128xi32, #tpu.memory_space<vmem>>, vector<16xi32>,
    %add3A_80 = arith.constant 1100000 : i32
    %add3A_81 = vector.broadcast %add3A_80 : i32 to vector<16xi32>
    %add3A_82 = arith.addi %get3A_3, %add3A_81 : vector<16xi32>
    %swap3A_83 = arith.constant 1 : i32
    %swap3A_84 = arith.index_cast %swap3A_83 : i32 to index
    %swap3A_85 = arith.constant 48 : index
    %swap3A_86 = tpu.vector_load %arg6[%swap3A_84, %swap3A_85] {strides = array<i32>} : memref<16x128xi32, #tpu.memory_space<vmem>>, vector<16xi32>,
    tpu.vector_store %arg6[%swap3A_84, %swap3A_85], %add3A_82 {strides = array<i32>} : memref<16x128xi32, #tpu.memory_space<vmem>>, vector<16xi32>,
    %add3A_87 = arith.constant 1200000 : i32
    %add3A_88 = vector.broadcast %add3A_87 : i32 to vector<16xi32>
    %add3A_89 = arith.addi %get3A_3, %add3A_88 : vector<16xi32>
    %swap3A_90 = arith.constant 1 : i32
    %swap3A_91 = arith.index_cast %swap3A_90 : i32 to index
    %swap3A_92 = arith.constant 64 : index
    %swap3A_93 = tpu.vector_load %arg6[%swap3A_91, %swap3A_92] {strides = array<i32>} : memref<16x128xi32, #tpu.memory_space<vmem>>, vector<16xi32>,
    tpu.vector_store %arg6[%swap3A_91, %swap3A_92], %add3A_89 {strides = array<i32>} : memref<16x128xi32, #tpu.memory_space<vmem>>, vector<16xi32>,
    %add3A_94 = arith.constant 1300000 : i32
    %add3A_95 = vector.broadcast %add3A_94 : i32 to vector<16xi32>
    %add3A_96 = arith.addi %get3A_3, %add3A_95 : vector<16xi32>
    %swap3A_97 = arith.constant 1 : i32
    %swap3A_98 = arith.index_cast %swap3A_97 : i32 to index
    %swap3A_99 = arith.constant 80 : index
    %swap3A_100 = tpu.vector_load %arg6[%swap3A_98, %swap3A_99] {strides = array<i32>} : memref<16x128xi32, #tpu.memory_space<vmem>>, vector<16xi32>,
    tpu.vector_store %arg6[%swap3A_98, %swap3A_99], %add3A_96 {strides = array<i32>} : memref<16x128xi32, #tpu.memory_space<vmem>>, vector<16xi32>,
    %add3A_101 = arith.constant 1400000 : i32
    %add3A_102 = vector.broadcast %add3A_101 : i32 to vector<16xi32>
    %add3A_103 = arith.addi %get3A_3, %add3A_102 : vector<16xi32>
    %swap3A_104 = arith.constant 1 : i32
    %swap3A_105 = arith.index_cast %swap3A_104 : i32 to index
    %swap3A_106 = arith.constant 96 : index
    %swap3A_107 = tpu.vector_load %arg6[%swap3A_105, %swap3A_106] {strides = array<i32>} : memref<16x128xi32, #tpu.memory_space<vmem>>, vector<16xi32>,
    tpu.vector_store %arg6[%swap3A_105, %swap3A_106], %add3A_103 {strides = array<i32>} : memref<16x128xi32, #tpu.memory_space<vmem>>, vector<16xi32>,
    %add3A_108 = arith.constant 1500000 : i32
    %add3A_109 = vector.broadcast %add3A_108 : i32 to vector<16xi32>
    %add3A_110 = arith.addi %get3A_3, %add3A_109 : vector<16xi32>
    %swap3A_111 = arith.constant 1 : i32
    %swap3A_112 = arith.index_cast %swap3A_111 : i32 to index
    %swap3A_113 = arith.constant 112 : index
    %swap3A_114 = tpu.vector_load %arg6[%swap3A_112, %swap3A_113] {strides = array<i32>} : memref<16x128xi32, #tpu.memory_space<vmem>>, vector<16xi32>,
    tpu.vector_store %arg6[%swap3A_112, %swap3A_113], %add3A_110 {strides = array<i32>} : memref<16x128xi32, #tpu.memory_space<vmem>>, vector<16xi32>,
    %add3A_115 = arith.constant 1600000 : i32
    %add3A_116 = vector.broadcast %add3A_115 : i32 to vector<16xi32>
    %add3A_117 = arith.addi %get3A_3, %add3A_116 : vector<16xi32>
    %swap3A_118 = arith.constant 2 : i32
    %swap3A_119 = arith.index_cast %swap3A_118 : i32 to index
    %swap3A_120 = arith.constant 0 : index
    %swap3A_121 = tpu.vector_load %arg6[%swap3A_119, %swap3A_120] {strides = array<i32>} : memref<16x128xi32, #tpu.memory_space<vmem>>, vector<16xi32>,
    tpu.vector_store %arg6[%swap3A_119, %swap3A_120], %add3A_117 {strides = array<i32>} : memref<16x128xi32, #tpu.memory_space<vmem>>, vector<16xi32>,
    %add3A_122 = arith.constant 1700000 : i32
    %add3A_123 = vector.broadcast %add3A_122 : i32 to vector<16xi32>
    %add3A_124 = arith.addi %get3A_3, %add3A_123 : vector<16xi32>
    %swap3A_125 = arith.constant 2 : i32
    %swap3A_126 = arith.index_cast %swap3A_125 : i32 to index
    %swap3A_127 = arith.constant 16 : index
    %swap3A_128 = tpu.vector_load %arg6[%swap3A_126, %swap3A_127] {strides = array<i32>} : memref<16x128xi32, #tpu.memory_space<vmem>>, vector<16xi32>,
    tpu.vector_store %arg6[%swap3A_126, %swap3A_127], %add3A_124 {strides = array<i32>} : memref<16x128xi32, #tpu.memory_space<vmem>>, vector<16xi32>,
    %add3A_129 = arith.constant 1800000 : i32
    %add3A_130 = vector.broadcast %add3A_129 : i32 to vector<16xi32>
    %add3A_131 = arith.addi %get3A_3, %add3A_130 : vector<16xi32>
    %swap3A_132 = arith.constant 2 : i32
    %swap3A_133 = arith.index_cast %swap3A_132 : i32 to index
    %swap3A_134 = arith.constant 32 : index
    %swap3A_135 = tpu.vector_load %arg6[%swap3A_133, %swap3A_134] {strides = array<i32>} : memref<16x128xi32, #tpu.memory_space<vmem>>, vector<16xi32>,
    tpu.vector_store %arg6[%swap3A_133, %swap3A_134], %add3A_131 {strides = array<i32>} : memref<16x128xi32, #tpu.memory_space<vmem>>, vector<16xi32>,
    %add3A_136 = arith.constant 1900000 : i32
    %add3A_137 = vector.broadcast %add3A_136 : i32 to vector<16xi32>
    %add3A_138 = arith.addi %get3A_3, %add3A_137 : vector<16xi32>
    %swap3A_139 = arith.constant 2 : i32
    %swap3A_140 = arith.index_cast %swap3A_139 : i32 to index
    %swap3A_141 = arith.constant 48 : index
    %swap3A_142 = tpu.vector_load %arg6[%swap3A_140, %swap3A_141] {strides = array<i32>} : memref<16x128xi32, #tpu.memory_space<vmem>>, vector<16xi32>,
    tpu.vector_store %arg6[%swap3A_140, %swap3A_141], %add3A_138 {strides = array<i32>} : memref<16x128xi32, #tpu.memory_space<vmem>>, vector<16xi32>,
    %add3A_143 = arith.constant 2000000 : i32
    %add3A_144 = vector.broadcast %add3A_143 : i32 to vector<16xi32>
    %add3A_145 = arith.addi %get3A_3, %add3A_144 : vector<16xi32>
    %swap3A_146 = arith.constant 2 : i32
    %swap3A_147 = arith.index_cast %swap3A_146 : i32 to index
    %swap3A_148 = arith.constant 64 : index
    %swap3A_149 = tpu.vector_load %arg6[%swap3A_147, %swap3A_148] {strides = array<i32>} : memref<16x128xi32, #tpu.memory_space<vmem>>, vector<16xi32>,
    tpu.vector_store %arg6[%swap3A_147, %swap3A_148], %add3A_145 {strides = array<i32>} : memref<16x128xi32, #tpu.memory_space<vmem>>, vector<16xi32>,
    %add3A_150 = arith.constant 2100000 : i32
    %add3A_151 = vector.broadcast %add3A_150 : i32 to vector<16xi32>
    %add3A_152 = arith.addi %get3A_3, %add3A_151 : vector<16xi32>
    %swap3A_153 = arith.constant 2 : i32
    %swap3A_154 = arith.index_cast %swap3A_153 : i32 to index
    %swap3A_155 = arith.constant 80 : index
    %swap3A_156 = tpu.vector_load %arg6[%swap3A_154, %swap3A_155] {strides = array<i32>} : memref<16x128xi32, #tpu.memory_space<vmem>>, vector<16xi32>,
    tpu.vector_store %arg6[%swap3A_154, %swap3A_155], %add3A_152 {strides = array<i32>} : memref<16x128xi32, #tpu.memory_space<vmem>>, vector<16xi32>,
    %add3A_157 = arith.constant 2200000 : i32
    %add3A_158 = vector.broadcast %add3A_157 : i32 to vector<16xi32>
    %add3A_159 = arith.addi %get3A_3, %add3A_158 : vector<16xi32>
    %swap3A_160 = arith.constant 2 : i32
    %swap3A_161 = arith.index_cast %swap3A_160 : i32 to index
    %swap3A_162 = arith.constant 96 : index
    %swap3A_163 = tpu.vector_load %arg6[%swap3A_161, %swap3A_162] {strides = array<i32>} : memref<16x128xi32, #tpu.memory_space<vmem>>, vector<16xi32>,
    tpu.vector_store %arg6[%swap3A_161, %swap3A_162], %add3A_159 {strides = array<i32>} : memref<16x128xi32, #tpu.memory_space<vmem>>, vector<16xi32>,
    %add3A_164 = arith.constant 2300000 : i32
    %add3A_165 = vector.broadcast %add3A_164 : i32 to vector<16xi32>
    %add3A_166 = arith.addi %get3A_3, %add3A_165 : vector<16xi32>
    %swap3A_167 = arith.constant 2 : i32
    %swap3A_168 = arith.index_cast %swap3A_167 : i32 to index
    %swap3A_169 = arith.constant 112 : index
    %swap3A_170 = tpu.vector_load %arg6[%swap3A_168, %swap3A_169] {strides = array<i32>} : memref<16x128xi32, #tpu.memory_space<vmem>>, vector<16xi32>,
    tpu.vector_store %arg6[%swap3A_168, %swap3A_169], %add3A_166 {strides = array<i32>} : memref<16x128xi32, #tpu.memory_space<vmem>>, vector<16xi32>,
    %add3A_171 = arith.constant 2400000 : i32
    %add3A_172 = vector.broadcast %add3A_171 : i32 to vector<16xi32>
    %add3A_173 = arith.addi %get3A_3, %add3A_172 : vector<16xi32>
    %swap3A_174 = arith.constant 3 : i32
    %swap3A_175 = arith.index_cast %swap3A_174 : i32 to index
    %swap3A_176 = arith.constant 0 : index
    %swap3A_177 = tpu.vector_load %arg6[%swap3A_175, %swap3A_176] {strides = array<i32>} : memref<16x128xi32, #tpu.memory_space<vmem>>, vector<16xi32>,
    tpu.vector_store %arg6[%swap3A_175, %swap3A_176], %add3A_173 {strides = array<i32>} : memref<16x128xi32, #tpu.memory_space<vmem>>, vector<16xi32>,
    %add3A_178 = arith.constant 2500000 : i32
    %add3A_179 = vector.broadcast %add3A_178 : i32 to vector<16xi32>
    %add3A_180 = arith.addi %get3A_3, %add3A_179 : vector<16xi32>
    %swap3A_181 = arith.constant 3 : i32
    %swap3A_182 = arith.index_cast %swap3A_181 : i32 to index
    %swap3A_183 = arith.constant 16 : index
    %swap3A_184 = tpu.vector_load %arg6[%swap3A_182, %swap3A_183] {strides = array<i32>} : memref<16x128xi32, #tpu.memory_space<vmem>>, vector<16xi32>,
    tpu.vector_store %arg6[%swap3A_182, %swap3A_183], %add3A_180 {strides = array<i32>} : memref<16x128xi32, #tpu.memory_space<vmem>>, vector<16xi32>,
    %add3A_185 = arith.constant 2600000 : i32
    %add3A_186 = vector.broadcast %add3A_185 : i32 to vector<16xi32>
    %add3A_187 = arith.addi %get3A_3, %add3A_186 : vector<16xi32>
    %swap3A_188 = arith.constant 3 : i32
    %swap3A_189 = arith.index_cast %swap3A_188 : i32 to index
    %swap3A_190 = arith.constant 32 : index
    %swap3A_191 = tpu.vector_load %arg6[%swap3A_189, %swap3A_190] {strides = array<i32>} : memref<16x128xi32, #tpu.memory_space<vmem>>, vector<16xi32>,
    tpu.vector_store %arg6[%swap3A_189, %swap3A_190], %add3A_187 {strides = array<i32>} : memref<16x128xi32, #tpu.memory_space<vmem>>, vector<16xi32>,
    %add3A_192 = arith.constant 2700000 : i32
    %add3A_193 = vector.broadcast %add3A_192 : i32 to vector<16xi32>
    %add3A_194 = arith.addi %get3A_3, %add3A_193 : vector<16xi32>
    %swap3A_195 = arith.constant 3 : i32
    %swap3A_196 = arith.index_cast %swap3A_195 : i32 to index
    %swap3A_197 = arith.constant 48 : index
    %swap3A_198 = tpu.vector_load %arg6[%swap3A_196, %swap3A_197] {strides = array<i32>} : memref<16x128xi32, #tpu.memory_space<vmem>>, vector<16xi32>,
    tpu.vector_store %arg6[%swap3A_196, %swap3A_197], %add3A_194 {strides = array<i32>} : memref<16x128xi32, #tpu.memory_space<vmem>>, vector<16xi32>,
    %add3A_199 = arith.constant 2800000 : i32
    %add3A_200 = vector.broadcast %add3A_199 : i32 to vector<16xi32>
    %add3A_201 = arith.addi %get3A_3, %add3A_200 : vector<16xi32>
    %swap3A_202 = arith.constant 3 : i32
    %swap3A_203 = arith.index_cast %swap3A_202 : i32 to index
    %swap3A_204 = arith.constant 64 : index
    %swap3A_205 = tpu.vector_load %arg6[%swap3A_203, %swap3A_204] {strides = array<i32>} : memref<16x128xi32, #tpu.memory_space<vmem>>, vector<16xi32>,
    tpu.vector_store %arg6[%swap3A_203, %swap3A_204], %add3A_201 {strides = array<i32>} : memref<16x128xi32, #tpu.memory_space<vmem>>, vector<16xi32>,
    %add3A_206 = arith.constant 2900000 : i32
    %add3A_207 = vector.broadcast %add3A_206 : i32 to vector<16xi32>
    %add3A_208 = arith.addi %get3A_3, %add3A_207 : vector<16xi32>
    %swap3A_209 = arith.constant 3 : i32
    %swap3A_210 = arith.index_cast %swap3A_209 : i32 to index
    %swap3A_211 = arith.constant 80 : index
    %swap3A_212 = tpu.vector_load %arg6[%swap3A_210, %swap3A_211] {strides = array<i32>} : memref<16x128xi32, #tpu.memory_space<vmem>>, vector<16xi32>,
    tpu.vector_store %arg6[%swap3A_210, %swap3A_211], %add3A_208 {strides = array<i32>} : memref<16x128xi32, #tpu.memory_space<vmem>>, vector<16xi32>,
    %add3A_213 = arith.constant 3000000 : i32
    %add3A_214 = vector.broadcast %add3A_213 : i32 to vector<16xi32>
    %add3A_215 = arith.addi %get3A_3, %add3A_214 : vector<16xi32>
    %swap3A_216 = arith.constant 3 : i32
    %swap3A_217 = arith.index_cast %swap3A_216 : i32 to index
    %swap3A_218 = arith.constant 96 : index
    %swap3A_219 = tpu.vector_load %arg6[%swap3A_217, %swap3A_218] {strides = array<i32>} : memref<16x128xi32, #tpu.memory_space<vmem>>, vector<16xi32>,
    tpu.vector_store %arg6[%swap3A_217, %swap3A_218], %add3A_215 {strides = array<i32>} : memref<16x128xi32, #tpu.memory_space<vmem>>, vector<16xi32>,
    %add3A_220 = arith.constant 3100000 : i32
    %add3A_221 = vector.broadcast %add3A_220 : i32 to vector<16xi32>
    %add3A_222 = arith.addi %get3A_3, %add3A_221 : vector<16xi32>
    %swap3A_223 = arith.constant 3 : i32
    %swap3A_224 = arith.index_cast %swap3A_223 : i32 to index
    %swap3A_225 = arith.constant 112 : index
    %swap3A_226 = tpu.vector_load %arg6[%swap3A_224, %swap3A_225] {strides = array<i32>} : memref<16x128xi32, #tpu.memory_space<vmem>>, vector<16xi32>,
    tpu.vector_store %arg6[%swap3A_224, %swap3A_225], %add3A_222 {strides = array<i32>} : memref<16x128xi32, #tpu.memory_space<vmem>>, vector<16xi32>,
    %add3A_227 = arith.constant 3200000 : i32
    %add3A_228 = vector.broadcast %add3A_227 : i32 to vector<16xi32>
    %add3A_229 = arith.addi %get3A_3, %add3A_228 : vector<16xi32>
    %swap3A_230 = arith.constant 4 : i32
    %swap3A_231 = arith.index_cast %swap3A_230 : i32 to index
    %swap3A_232 = arith.constant 0 : index
    %swap3A_233 = tpu.vector_load %arg6[%swap3A_231, %swap3A_232] {strides = array<i32>} : memref<16x128xi32, #tpu.memory_space<vmem>>, vector<16xi32>,
    tpu.vector_store %arg6[%swap3A_231, %swap3A_232], %add3A_229 {strides = array<i32>} : memref<16x128xi32, #tpu.memory_space<vmem>>, vector<16xi32>,
    %add3A_234 = arith.constant 3300000 : i32
    %add3A_235 = vector.broadcast %add3A_234 : i32 to vector<16xi32>
    %add3A_236 = arith.addi %get3A_3, %add3A_235 : vector<16xi32>
    %swap3A_237 = arith.constant 4 : i32
    %swap3A_238 = arith.index_cast %swap3A_237 : i32 to index
    %swap3A_239 = arith.constant 16 : index
    %swap3A_240 = tpu.vector_load %arg6[%swap3A_238, %swap3A_239] {strides = array<i32>} : memref<16x128xi32, #tpu.memory_space<vmem>>, vector<16xi32>,
    tpu.vector_store %arg6[%swap3A_238, %swap3A_239], %add3A_236 {strides = array<i32>} : memref<16x128xi32, #tpu.memory_space<vmem>>, vector<16xi32>,
    %add3A_241 = arith.constant 3400000 : i32
    %add3A_242 = vector.broadcast %add3A_241 : i32 to vector<16xi32>
    %add3A_243 = arith.addi %get3A_3, %add3A_242 : vector<16xi32>
    %swap3A_244 = arith.constant 4 : i32
    %swap3A_245 = arith.index_cast %swap3A_244 : i32 to index
    %swap3A_246 = arith.constant 32 : index
    %swap3A_247 = tpu.vector_load %arg6[%swap3A_245, %swap3A_246] {strides = array<i32>} : memref<16x128xi32, #tpu.memory_space<vmem>>, vector<16xi32>,
    tpu.vector_store %arg6[%swap3A_245, %swap3A_246], %add3A_243 {strides = array<i32>} : memref<16x128xi32, #tpu.memory_space<vmem>>, vector<16xi32>,
    %add3A_248 = arith.constant 3500000 : i32
    %add3A_249 = vector.broadcast %add3A_248 : i32 to vector<16xi32>
    %add3A_250 = arith.addi %get3A_3, %add3A_249 : vector<16xi32>
    %swap3A_251 = arith.constant 4 : i32
    %swap3A_252 = arith.index_cast %swap3A_251 : i32 to index
    %swap3A_253 = arith.constant 48 : index
    %swap3A_254 = tpu.vector_load %arg6[%swap3A_252, %swap3A_253] {strides = array<i32>} : memref<16x128xi32, #tpu.memory_space<vmem>>, vector<16xi32>,
    tpu.vector_store %arg6[%swap3A_252, %swap3A_253], %add3A_250 {strides = array<i32>} : memref<16x128xi32, #tpu.memory_space<vmem>>, vector<16xi32>,
    %add3A_255 = arith.constant 3600000 : i32
    %add3A_256 = vector.broadcast %add3A_255 : i32 to vector<16xi32>
    %add3A_257 = arith.addi %get3A_3, %add3A_256 : vector<16xi32>
    %swap3A_258 = arith.constant 4 : i32
    %swap3A_259 = arith.index_cast %swap3A_258 : i32 to index
    %swap3A_260 = arith.constant 64 : index
    %swap3A_261 = tpu.vector_load %arg6[%swap3A_259, %swap3A_260] {strides = array<i32>} : memref<16x128xi32, #tpu.memory_space<vmem>>, vector<16xi32>,
    tpu.vector_store %arg6[%swap3A_259, %swap3A_260], %add3A_257 {strides = array<i32>} : memref<16x128xi32, #tpu.memory_space<vmem>>, vector<16xi32>,
    %add3A_262 = arith.constant 3700000 : i32
    %add3A_263 = vector.broadcast %add3A_262 : i32 to vector<16xi32>
    %add3A_264 = arith.addi %get3A_3, %add3A_263 : vector<16xi32>
    %swap3A_265 = arith.constant 4 : i32
    %swap3A_266 = arith.index_cast %swap3A_265 : i32 to index
    %swap3A_267 = arith.constant 80 : index
    %swap3A_268 = tpu.vector_load %arg6[%swap3A_266, %swap3A_267] {strides = array<i32>} : memref<16x128xi32, #tpu.memory_space<vmem>>, vector<16xi32>,
    tpu.vector_store %arg6[%swap3A_266, %swap3A_267], %add3A_264 {strides = array<i32>} : memref<16x128xi32, #tpu.memory_space<vmem>>, vector<16xi32>,
    %add3A_269 = arith.constant 3800000 : i32
    %add3A_270 = vector.broadcast %add3A_269 : i32 to vector<16xi32>
    %add3A_271 = arith.addi %get3A_3, %add3A_270 : vector<16xi32>
    %swap3A_272 = arith.constant 4 : i32
    %swap3A_273 = arith.index_cast %swap3A_272 : i32 to index
    %swap3A_274 = arith.constant 96 : index
    %swap3A_275 = tpu.vector_load %arg6[%swap3A_273, %swap3A_274] {strides = array<i32>} : memref<16x128xi32, #tpu.memory_space<vmem>>, vector<16xi32>,
    tpu.vector_store %arg6[%swap3A_273, %swap3A_274], %add3A_271 {strides = array<i32>} : memref<16x128xi32, #tpu.memory_space<vmem>>, vector<16xi32>,
    %add3A_276 = arith.constant 3900000 : i32
    %add3A_277 = vector.broadcast %add3A_276 : i32 to vector<16xi32>
    %add3A_278 = arith.addi %get3A_3, %add3A_277 : vector<16xi32>
    %swap3A_279 = arith.constant 4 : i32
    %swap3A_280 = arith.index_cast %swap3A_279 : i32 to index
    %swap3A_281 = arith.constant 112 : index
    %swap3A_282 = tpu.vector_load %arg6[%swap3A_280, %swap3A_281] {strides = array<i32>} : memref<16x128xi32, #tpu.memory_space<vmem>>, vector<16xi32>,
    tpu.vector_store %arg6[%swap3A_280, %swap3A_281], %add3A_278 {strides = array<i32>} : memref<16x128xi32, #tpu.memory_space<vmem>>, vector<16xi32>,
    %add3A_283 = arith.constant 4000000 : i32
    %add3A_284 = vector.broadcast %add3A_283 : i32 to vector<16xi32>
    %add3A_285 = arith.addi %get3A_3, %add3A_284 : vector<16xi32>
    %swap3A_286 = arith.constant 5 : i32
    %swap3A_287 = arith.index_cast %swap3A_286 : i32 to index
    %swap3A_288 = arith.constant 0 : index
    %swap3A_289 = tpu.vector_load %arg6[%swap3A_287, %swap3A_288] {strides = array<i32>} : memref<16x128xi32, #tpu.memory_space<vmem>>, vector<16xi32>,
    tpu.vector_store %arg6[%swap3A_287, %swap3A_288], %add3A_285 {strides = array<i32>} : memref<16x128xi32, #tpu.memory_space<vmem>>, vector<16xi32>,
    %add3A_290 = arith.constant 4100000 : i32
    %add3A_291 = vector.broadcast %add3A_290 : i32 to vector<16xi32>
    %add3A_292 = arith.addi %get3A_3, %add3A_291 : vector<16xi32>
    %swap3A_293 = arith.constant 5 : i32
    %swap3A_294 = arith.index_cast %swap3A_293 : i32 to index
    %swap3A_295 = arith.constant 16 : index
    %swap3A_296 = tpu.vector_load %arg6[%swap3A_294, %swap3A_295] {strides = array<i32>} : memref<16x128xi32, #tpu.memory_space<vmem>>, vector<16xi32>,
    tpu.vector_store %arg6[%swap3A_294, %swap3A_295], %add3A_292 {strides = array<i32>} : memref<16x128xi32, #tpu.memory_space<vmem>>, vector<16xi32>,
    %add3A_297 = arith.constant 4200000 : i32
    %add3A_298 = vector.broadcast %add3A_297 : i32 to vector<16xi32>
    %add3A_299 = arith.addi %get3A_3, %add3A_298 : vector<16xi32>
    %swap3A_300 = arith.constant 5 : i32
    %swap3A_301 = arith.index_cast %swap3A_300 : i32 to index
    %swap3A_302 = arith.constant 32 : index
    %swap3A_303 = tpu.vector_load %arg6[%swap3A_301, %swap3A_302] {strides = array<i32>} : memref<16x128xi32, #tpu.memory_space<vmem>>, vector<16xi32>,
    tpu.vector_store %arg6[%swap3A_301, %swap3A_302], %add3A_299 {strides = array<i32>} : memref<16x128xi32, #tpu.memory_space<vmem>>, vector<16xi32>,
    %add3A_304 = arith.constant 4300000 : i32
    %add3A_305 = vector.broadcast %add3A_304 : i32 to vector<16xi32>
    %add3A_306 = arith.addi %get3A_3, %add3A_305 : vector<16xi32>
    %swap3A_307 = arith.constant 5 : i32
    %swap3A_308 = arith.index_cast %swap3A_307 : i32 to index
    %swap3A_309 = arith.constant 48 : index
    %swap3A_310 = tpu.vector_load %arg6[%swap3A_308, %swap3A_309] {strides = array<i32>} : memref<16x128xi32, #tpu.memory_space<vmem>>, vector<16xi32>,
    tpu.vector_store %arg6[%swap3A_308, %swap3A_309], %add3A_306 {strides = array<i32>} : memref<16x128xi32, #tpu.memory_space<vmem>>, vector<16xi32>,
    %add3A_311 = arith.constant 4400000 : i32
    %add3A_312 = vector.broadcast %add3A_311 : i32 to vector<16xi32>
    %add3A_313 = arith.addi %get3A_3, %add3A_312 : vector<16xi32>
    %swap3A_314 = arith.constant 5 : i32
    %swap3A_315 = arith.index_cast %swap3A_314 : i32 to index
    %swap3A_316 = arith.constant 64 : index
    %swap3A_317 = tpu.vector_load %arg6[%swap3A_315, %swap3A_316] {strides = array<i32>} : memref<16x128xi32, #tpu.memory_space<vmem>>, vector<16xi32>,
    tpu.vector_store %arg6[%swap3A_315, %swap3A_316], %add3A_313 {strides = array<i32>} : memref<16x128xi32, #tpu.memory_space<vmem>>, vector<16xi32>,
    %add3A_318 = arith.constant 4500000 : i32
    %add3A_319 = vector.broadcast %add3A_318 : i32 to vector<16xi32>
    %add3A_320 = arith.addi %get3A_3, %add3A_319 : vector<16xi32>
    %swap3A_321 = arith.constant 5 : i32
    %swap3A_322 = arith.index_cast %swap3A_321 : i32 to index
    %swap3A_323 = arith.constant 80 : index
    %swap3A_324 = tpu.vector_load %arg6[%swap3A_322, %swap3A_323] {strides = array<i32>} : memref<16x128xi32, #tpu.memory_space<vmem>>, vector<16xi32>,
    tpu.vector_store %arg6[%swap3A_322, %swap3A_323], %add3A_320 {strides = array<i32>} : memref<16x128xi32, #tpu.memory_space<vmem>>, vector<16xi32>,
    %add3A_325 = arith.constant 4600000 : i32
    %add3A_326 = vector.broadcast %add3A_325 : i32 to vector<16xi32>
    %add3A_327 = arith.addi %get3A_3, %add3A_326 : vector<16xi32>
    %swap3A_328 = arith.constant 5 : i32
    %swap3A_329 = arith.index_cast %swap3A_328 : i32 to index
    %swap3A_330 = arith.constant 96 : index
    %swap3A_331 = tpu.vector_load %arg6[%swap3A_329, %swap3A_330] {strides = array<i32>} : memref<16x128xi32, #tpu.memory_space<vmem>>, vector<16xi32>,
    tpu.vector_store %arg6[%swap3A_329, %swap3A_330], %add3A_327 {strides = array<i32>} : memref<16x128xi32, #tpu.memory_space<vmem>>, vector<16xi32>,
    %add3A_332 = arith.constant 4700000 : i32
    %add3A_333 = vector.broadcast %add3A_332 : i32 to vector<16xi32>
    %add3A_334 = arith.addi %get3A_3, %add3A_333 : vector<16xi32>
    %swap3A_335 = arith.constant 5 : i32
    %swap3A_336 = arith.index_cast %swap3A_335 : i32 to index
    %swap3A_337 = arith.constant 112 : index
    %swap3A_338 = tpu.vector_load %arg6[%swap3A_336, %swap3A_337] {strides = array<i32>} : memref<16x128xi32, #tpu.memory_space<vmem>>, vector<16xi32>,
    tpu.vector_store %arg6[%swap3A_336, %swap3A_337], %add3A_334 {strides = array<i32>} : memref<16x128xi32, #tpu.memory_space<vmem>>, vector<16xi32>,
    %add3A_339 = arith.constant 4800000 : i32
    %add3A_340 = vector.broadcast %add3A_339 : i32 to vector<16xi32>
    %add3A_341 = arith.addi %get3A_3, %add3A_340 : vector<16xi32>
    %swap3A_342 = arith.constant 6 : i32
    %swap3A_343 = arith.index_cast %swap3A_342 : i32 to index
    %swap3A_344 = arith.constant 0 : index
    %swap3A_345 = tpu.vector_load %arg6[%swap3A_343, %swap3A_344] {strides = array<i32>} : memref<16x128xi32, #tpu.memory_space<vmem>>, vector<16xi32>,
    tpu.vector_store %arg6[%swap3A_343, %swap3A_344], %add3A_341 {strides = array<i32>} : memref<16x128xi32, #tpu.memory_space<vmem>>, vector<16xi32>,
    %add3A_346 = arith.constant 4900000 : i32
    %add3A_347 = vector.broadcast %add3A_346 : i32 to vector<16xi32>
    %add3A_348 = arith.addi %get3A_3, %add3A_347 : vector<16xi32>
    %swap3A_349 = arith.constant 6 : i32
    %swap3A_350 = arith.index_cast %swap3A_349 : i32 to index
    %swap3A_351 = arith.constant 16 : index
    %swap3A_352 = tpu.vector_load %arg6[%swap3A_350, %swap3A_351] {strides = array<i32>} : memref<16x128xi32, #tpu.memory_space<vmem>>, vector<16xi32>,
    tpu.vector_store %arg6[%swap3A_350, %swap3A_351], %add3A_348 {strides = array<i32>} : memref<16x128xi32, #tpu.memory_space<vmem>>, vector<16xi32>,
    %add3A_353 = arith.constant 5000000 : i32
    %add3A_354 = vector.broadcast %add3A_353 : i32 to vector<16xi32>
    %add3A_355 = arith.addi %get3A_3, %add3A_354 : vector<16xi32>
    %swap3A_356 = arith.constant 6 : i32
    %swap3A_357 = arith.index_cast %swap3A_356 : i32 to index
    %swap3A_358 = arith.constant 32 : index
    %swap3A_359 = tpu.vector_load %arg6[%swap3A_357, %swap3A_358] {strides = array<i32>} : memref<16x128xi32, #tpu.memory_space<vmem>>, vector<16xi32>,
    tpu.vector_store %arg6[%swap3A_357, %swap3A_358], %add3A_355 {strides = array<i32>} : memref<16x128xi32, #tpu.memory_space<vmem>>, vector<16xi32>,
    %add3A_360 = arith.constant 5100000 : i32
    %add3A_361 = vector.broadcast %add3A_360 : i32 to vector<16xi32>
    %add3A_362 = arith.addi %get3A_3, %add3A_361 : vector<16xi32>
    %swap3A_363 = arith.constant 6 : i32
    %swap3A_364 = arith.index_cast %swap3A_363 : i32 to index
    %swap3A_365 = arith.constant 48 : index
    %swap3A_366 = tpu.vector_load %arg6[%swap3A_364, %swap3A_365] {strides = array<i32>} : memref<16x128xi32, #tpu.memory_space<vmem>>, vector<16xi32>,
    tpu.vector_store %arg6[%swap3A_364, %swap3A_365], %add3A_362 {strides = array<i32>} : memref<16x128xi32, #tpu.memory_space<vmem>>, vector<16xi32>,
    %add3A_367 = arith.constant 5200000 : i32
    %add3A_368 = vector.broadcast %add3A_367 : i32 to vector<16xi32>
    %add3A_369 = arith.addi %get3A_3, %add3A_368 : vector<16xi32>
    %swap3A_370 = arith.constant 6 : i32
    %swap3A_371 = arith.index_cast %swap3A_370 : i32 to index
    %swap3A_372 = arith.constant 64 : index
    %swap3A_373 = tpu.vector_load %arg6[%swap3A_371, %swap3A_372] {strides = array<i32>} : memref<16x128xi32, #tpu.memory_space<vmem>>, vector<16xi32>,
    tpu.vector_store %arg6[%swap3A_371, %swap3A_372], %add3A_369 {strides = array<i32>} : memref<16x128xi32, #tpu.memory_space<vmem>>, vector<16xi32>,
    %add3A_374 = arith.constant 5300000 : i32
    %add3A_375 = vector.broadcast %add3A_374 : i32 to vector<16xi32>
    %add3A_376 = arith.addi %get3A_3, %add3A_375 : vector<16xi32>
    %swap3A_377 = arith.constant 6 : i32
    %swap3A_378 = arith.index_cast %swap3A_377 : i32 to index
    %swap3A_379 = arith.constant 80 : index
    %swap3A_380 = tpu.vector_load %arg6[%swap3A_378, %swap3A_379] {strides = array<i32>} : memref<16x128xi32, #tpu.memory_space<vmem>>, vector<16xi32>,
    tpu.vector_store %arg6[%swap3A_378, %swap3A_379], %add3A_376 {strides = array<i32>} : memref<16x128xi32, #tpu.memory_space<vmem>>, vector<16xi32>,
    %add3A_381 = arith.constant 5400000 : i32
    %add3A_382 = vector.broadcast %add3A_381 : i32 to vector<16xi32>
    %add3A_383 = arith.addi %get3A_3, %add3A_382 : vector<16xi32>
    %swap3A_384 = arith.constant 6 : i32
    %swap3A_385 = arith.index_cast %swap3A_384 : i32 to index
    %swap3A_386 = arith.constant 96 : index
    %swap3A_387 = tpu.vector_load %arg6[%swap3A_385, %swap3A_386] {strides = array<i32>} : memref<16x128xi32, #tpu.memory_space<vmem>>, vector<16xi32>,
    tpu.vector_store %arg6[%swap3A_385, %swap3A_386], %add3A_383 {strides = array<i32>} : memref<16x128xi32, #tpu.memory_space<vmem>>, vector<16xi32>,
    %add3A_388 = arith.constant 5500000 : i32
    %add3A_389 = vector.broadcast %add3A_388 : i32 to vector<16xi32>
    %add3A_390 = arith.addi %get3A_3, %add3A_389 : vector<16xi32>
    %swap3A_391 = arith.constant 6 : i32
    %swap3A_392 = arith.index_cast %swap3A_391 : i32 to index
    %swap3A_393 = arith.constant 112 : index
    %swap3A_394 = tpu.vector_load %arg6[%swap3A_392, %swap3A_393] {strides = array<i32>} : memref<16x128xi32, #tpu.memory_space<vmem>>, vector<16xi32>,
    tpu.vector_store %arg6[%swap3A_392, %swap3A_393], %add3A_390 {strides = array<i32>} : memref<16x128xi32, #tpu.memory_space<vmem>>, vector<16xi32>,
    %add3A_395 = arith.constant 5600000 : i32
    %add3A_396 = vector.broadcast %add3A_395 : i32 to vector<16xi32>
    %add3A_397 = arith.addi %get3A_3, %add3A_396 : vector<16xi32>
    %swap3A_398 = arith.constant 7 : i32
    %swap3A_399 = arith.index_cast %swap3A_398 : i32 to index
    %swap3A_400 = arith.constant 0 : index
    %swap3A_401 = tpu.vector_load %arg6[%swap3A_399, %swap3A_400] {strides = array<i32>} : memref<16x128xi32, #tpu.memory_space<vmem>>, vector<16xi32>,
    tpu.vector_store %arg6[%swap3A_399, %swap3A_400], %add3A_397 {strides = array<i32>} : memref<16x128xi32, #tpu.memory_space<vmem>>, vector<16xi32>,
    %add3A_402 = arith.constant 5700000 : i32
    %add3A_403 = vector.broadcast %add3A_402 : i32 to vector<16xi32>
    %add3A_404 = arith.addi %get3A_3, %add3A_403 : vector<16xi32>
    %swap3A_405 = arith.constant 7 : i32
    %swap3A_406 = arith.index_cast %swap3A_405 : i32 to index
    %swap3A_407 = arith.constant 16 : index
    %swap3A_408 = tpu.vector_load %arg6[%swap3A_406, %swap3A_407] {strides = array<i32>} : memref<16x128xi32, #tpu.memory_space<vmem>>, vector<16xi32>,
    tpu.vector_store %arg6[%swap3A_406, %swap3A_407], %add3A_404 {strides = array<i32>} : memref<16x128xi32, #tpu.memory_space<vmem>>, vector<16xi32>,
    %add3A_409 = arith.constant 5800000 : i32
    %add3A_410 = vector.broadcast %add3A_409 : i32 to vector<16xi32>
    %add3A_411 = arith.addi %get3A_3, %add3A_410 : vector<16xi32>
    %swap3A_412 = arith.constant 7 : i32
    %swap3A_413 = arith.index_cast %swap3A_412 : i32 to index
    %swap3A_414 = arith.constant 32 : index
    %swap3A_415 = tpu.vector_load %arg6[%swap3A_413, %swap3A_414] {strides = array<i32>} : memref<16x128xi32, #tpu.memory_space<vmem>>, vector<16xi32>,
    tpu.vector_store %arg6[%swap3A_413, %swap3A_414], %add3A_411 {strides = array<i32>} : memref<16x128xi32, #tpu.memory_space<vmem>>, vector<16xi32>,
    %add3A_416 = arith.constant 5900000 : i32
    %add3A_417 = vector.broadcast %add3A_416 : i32 to vector<16xi32>
    %add3A_418 = arith.addi %get3A_3, %add3A_417 : vector<16xi32>
    %swap3A_419 = arith.constant 7 : i32
    %swap3A_420 = arith.index_cast %swap3A_419 : i32 to index
    %swap3A_421 = arith.constant 48 : index
    %swap3A_422 = tpu.vector_load %arg6[%swap3A_420, %swap3A_421] {strides = array<i32>} : memref<16x128xi32, #tpu.memory_space<vmem>>, vector<16xi32>,
    tpu.vector_store %arg6[%swap3A_420, %swap3A_421], %add3A_418 {strides = array<i32>} : memref<16x128xi32, #tpu.memory_space<vmem>>, vector<16xi32>,
    %add3A_423 = arith.constant 6000000 : i32
    %add3A_424 = vector.broadcast %add3A_423 : i32 to vector<16xi32>
    %add3A_425 = arith.addi %get3A_3, %add3A_424 : vector<16xi32>
    %swap3A_426 = arith.constant 7 : i32
    %swap3A_427 = arith.index_cast %swap3A_426 : i32 to index
    %swap3A_428 = arith.constant 64 : index
    %swap3A_429 = tpu.vector_load %arg6[%swap3A_427, %swap3A_428] {strides = array<i32>} : memref<16x128xi32, #tpu.memory_space<vmem>>, vector<16xi32>,
    tpu.vector_store %arg6[%swap3A_427, %swap3A_428], %add3A_425 {strides = array<i32>} : memref<16x128xi32, #tpu.memory_space<vmem>>, vector<16xi32>,
    %add3A_430 = arith.constant 6100000 : i32
    %add3A_431 = vector.broadcast %add3A_430 : i32 to vector<16xi32>
    %add3A_432 = arith.addi %get3A_3, %add3A_431 : vector<16xi32>
    %swap3A_433 = arith.constant 7 : i32
    %swap3A_434 = arith.index_cast %swap3A_433 : i32 to index
    %swap3A_435 = arith.constant 80 : index
    %swap3A_436 = tpu.vector_load %arg6[%swap3A_434, %swap3A_435] {strides = array<i32>} : memref<16x128xi32, #tpu.memory_space<vmem>>, vector<16xi32>,
    tpu.vector_store %arg6[%swap3A_434, %swap3A_435], %add3A_432 {strides = array<i32>} : memref<16x128xi32, #tpu.memory_space<vmem>>, vector<16xi32>,
    %add3A_437 = arith.constant 6200000 : i32
    %add3A_438 = vector.broadcast %add3A_437 : i32 to vector<16xi32>
    %add3A_439 = arith.addi %get3A_3, %add3A_438 : vector<16xi32>
    %swap3A_440 = arith.constant 7 : i32
    %swap3A_441 = arith.index_cast %swap3A_440 : i32 to index
    %swap3A_442 = arith.constant 96 : index
    %swap3A_443 = tpu.vector_load %arg6[%swap3A_441, %swap3A_442] {strides = array<i32>} : memref<16x128xi32, #tpu.memory_space<vmem>>, vector<16xi32>,
    tpu.vector_store %arg6[%swap3A_441, %swap3A_442], %add3A_439 {strides = array<i32>} : memref<16x128xi32, #tpu.memory_space<vmem>>, vector<16xi32>,
    %add3A_444 = arith.constant 6300000 : i32
    %add3A_445 = vector.broadcast %add3A_444 : i32 to vector<16xi32>
    %add3A_446 = arith.addi %get3A_3, %add3A_445 : vector<16xi32>
    %swap3A_447 = arith.constant 7 : i32
    %swap3A_448 = arith.index_cast %swap3A_447 : i32 to index
    %swap3A_449 = arith.constant 112 : index
    %swap3A_450 = tpu.vector_load %arg6[%swap3A_448, %swap3A_449] {strides = array<i32>} : memref<16x128xi32, #tpu.memory_space<vmem>>, vector<16xi32>,
    tpu.vector_store %arg6[%swap3A_448, %swap3A_449], %add3A_446 {strides = array<i32>} : memref<16x128xi32, #tpu.memory_space<vmem>>, vector<16xi32>,
    %get3A_451 = arith.constant 16 : index
    %get3A_452 = tpu.vector_load %arg5[%get3A_451] {strides = array<i32>} : memref<32xi32, #tpu.memory_space<vmem>>, vector<16xi32>,
    %add3A_453 = arith.constant 0 : i32
    %add3A_454 = vector.broadcast %add3A_453 : i32 to vector<16xi32>
    %add3A_455 = arith.addi %get3A_452, %add3A_454 : vector<16xi32>
    %swap3A_456 = arith.constant 8 : i32
    %swap3A_457 = arith.index_cast %swap3A_456 : i32 to index
    %swap3A_458 = arith.constant 0 : index
    %swap3A_459 = tpu.vector_load %arg6[%swap3A_457, %swap3A_458] {strides = array<i32>} : memref<16x128xi32, #tpu.memory_space<vmem>>, vector<16xi32>,
    tpu.vector_store %arg6[%swap3A_457, %swap3A_458], %add3A_455 {strides = array<i32>} : memref<16x128xi32, #tpu.memory_space<vmem>>, vector<16xi32>,
    %add3A_460 = arith.constant 100000 : i32
    %add3A_461 = vector.broadcast %add3A_460 : i32 to vector<16xi32>
    %add3A_462 = arith.addi %get3A_452, %add3A_461 : vector<16xi32>
    %swap3A_463 = arith.constant 8 : i32
    %swap3A_464 = arith.index_cast %swap3A_463 : i32 to index
    %swap3A_465 = arith.constant 16 : index
    %swap3A_466 = tpu.vector_load %arg6[%swap3A_464, %swap3A_465] {strides = array<i32>} : memref<16x128xi32, #tpu.memory_space<vmem>>, vector<16xi32>,
    tpu.vector_store %arg6[%swap3A_464, %swap3A_465], %add3A_462 {strides = array<i32>} : memref<16x128xi32, #tpu.memory_space<vmem>>, vector<16xi32>,
    %add3A_467 = arith.constant 200000 : i32
    %add3A_468 = vector.broadcast %add3A_467 : i32 to vector<16xi32>
    %add3A_469 = arith.addi %get3A_452, %add3A_468 : vector<16xi32>
    %swap3A_470 = arith.constant 8 : i32
    %swap3A_471 = arith.index_cast %swap3A_470 : i32 to index
    %swap3A_472 = arith.constant 32 : index
    %swap3A_473 = tpu.vector_load %arg6[%swap3A_471, %swap3A_472] {strides = array<i32>} : memref<16x128xi32, #tpu.memory_space<vmem>>, vector<16xi32>,
    tpu.vector_store %arg6[%swap3A_471, %swap3A_472], %add3A_469 {strides = array<i32>} : memref<16x128xi32, #tpu.memory_space<vmem>>, vector<16xi32>,
    %add3A_474 = arith.constant 300000 : i32
    %add3A_475 = vector.broadcast %add3A_474 : i32 to vector<16xi32>
    %add3A_476 = arith.addi %get3A_452, %add3A_475 : vector<16xi32>
    %swap3A_477 = arith.constant 8 : i32
    %swap3A_478 = arith.index_cast %swap3A_477 : i32 to index
    %swap3A_479 = arith.constant 48 : index
    %swap3A_480 = tpu.vector_load %arg6[%swap3A_478, %swap3A_479] {strides = array<i32>} : memref<16x128xi32, #tpu.memory_space<vmem>>, vector<16xi32>,
    tpu.vector_store %arg6[%swap3A_478, %swap3A_479], %add3A_476 {strides = array<i32>} : memref<16x128xi32, #tpu.memory_space<vmem>>, vector<16xi32>,
    %add3A_481 = arith.constant 400000 : i32
    %add3A_482 = vector.broadcast %add3A_481 : i32 to vector<16xi32>
    %add3A_483 = arith.addi %get3A_452, %add3A_482 : vector<16xi32>
    %swap3A_484 = arith.constant 8 : i32
    %swap3A_485 = arith.index_cast %swap3A_484 : i32 to index
    %swap3A_486 = arith.constant 64 : index
    %swap3A_487 = tpu.vector_load %arg6[%swap3A_485, %swap3A_486] {strides = array<i32>} : memref<16x128xi32, #tpu.memory_space<vmem>>, vector<16xi32>,
    tpu.vector_store %arg6[%swap3A_485, %swap3A_486], %add3A_483 {strides = array<i32>} : memref<16x128xi32, #tpu.memory_space<vmem>>, vector<16xi32>,
    %add3A_488 = arith.constant 500000 : i32
    %add3A_489 = vector.broadcast %add3A_488 : i32 to vector<16xi32>
    %add3A_490 = arith.addi %get3A_452, %add3A_489 : vector<16xi32>
    %swap3A_491 = arith.constant 8 : i32
    %swap3A_492 = arith.index_cast %swap3A_491 : i32 to index
    %swap3A_493 = arith.constant 80 : index
    %swap3A_494 = tpu.vector_load %arg6[%swap3A_492, %swap3A_493] {strides = array<i32>} : memref<16x128xi32, #tpu.memory_space<vmem>>, vector<16xi32>,
    tpu.vector_store %arg6[%swap3A_492, %swap3A_493], %add3A_490 {strides = array<i32>} : memref<16x128xi32, #tpu.memory_space<vmem>>, vector<16xi32>,
    %add3A_495 = arith.constant 600000 : i32
    %add3A_496 = vector.broadcast %add3A_495 : i32 to vector<16xi32>
    %add3A_497 = arith.addi %get3A_452, %add3A_496 : vector<16xi32>
    %swap3A_498 = arith.constant 8 : i32
    %swap3A_499 = arith.index_cast %swap3A_498 : i32 to index
    %swap3A_500 = arith.constant 96 : index
    %swap3A_501 = tpu.vector_load %arg6[%swap3A_499, %swap3A_500] {strides = array<i32>} : memref<16x128xi32, #tpu.memory_space<vmem>>, vector<16xi32>,
    tpu.vector_store %arg6[%swap3A_499, %swap3A_500], %add3A_497 {strides = array<i32>} : memref<16x128xi32, #tpu.memory_space<vmem>>, vector<16xi32>,
    %add3A_502 = arith.constant 700000 : i32
    %add3A_503 = vector.broadcast %add3A_502 : i32 to vector<16xi32>
    %add3A_504 = arith.addi %get3A_452, %add3A_503 : vector<16xi32>
    %swap3A_505 = arith.constant 8 : i32
    %swap3A_506 = arith.index_cast %swap3A_505 : i32 to index
    %swap3A_507 = arith.constant 112 : index
    %swap3A_508 = tpu.vector_load %arg6[%swap3A_506, %swap3A_507] {strides = array<i32>} : memref<16x128xi32, #tpu.memory_space<vmem>>, vector<16xi32>,
    tpu.vector_store %arg6[%swap3A_506, %swap3A_507], %add3A_504 {strides = array<i32>} : memref<16x128xi32, #tpu.memory_space<vmem>>, vector<16xi32>,
    %add3A_509 = arith.constant 800000 : i32
    %add3A_510 = vector.broadcast %add3A_509 : i32 to vector<16xi32>
    %add3A_511 = arith.addi %get3A_452, %add3A_510 : vector<16xi32>
    %swap3A_512 = arith.constant 9 : i32
    %swap3A_513 = arith.index_cast %swap3A_512 : i32 to index
    %swap3A_514 = arith.constant 0 : index
    %swap3A_515 = tpu.vector_load %arg6[%swap3A_513, %swap3A_514] {strides = array<i32>} : memref<16x128xi32, #tpu.memory_space<vmem>>, vector<16xi32>,
    tpu.vector_store %arg6[%swap3A_513, %swap3A_514], %add3A_511 {strides = array<i32>} : memref<16x128xi32, #tpu.memory_space<vmem>>, vector<16xi32>,
    %add3A_516 = arith.constant 900000 : i32
    %add3A_517 = vector.broadcast %add3A_516 : i32 to vector<16xi32>
    %add3A_518 = arith.addi %get3A_452, %add3A_517 : vector<16xi32>
    %swap3A_519 = arith.constant 9 : i32
    %swap3A_520 = arith.index_cast %swap3A_519 : i32 to index
    %swap3A_521 = arith.constant 16 : index
    %swap3A_522 = tpu.vector_load %arg6[%swap3A_520, %swap3A_521] {strides = array<i32>} : memref<16x128xi32, #tpu.memory_space<vmem>>, vector<16xi32>,
    tpu.vector_store %arg6[%swap3A_520, %swap3A_521], %add3A_518 {strides = array<i32>} : memref<16x128xi32, #tpu.memory_space<vmem>>, vector<16xi32>,
    %add3A_523 = arith.constant 1000000 : i32
    %add3A_524 = vector.broadcast %add3A_523 : i32 to vector<16xi32>
    %add3A_525 = arith.addi %get3A_452, %add3A_524 : vector<16xi32>
    %swap3A_526 = arith.constant 9 : i32
    %swap3A_527 = arith.index_cast %swap3A_526 : i32 to index
    %swap3A_528 = arith.constant 32 : index
    %swap3A_529 = tpu.vector_load %arg6[%swap3A_527, %swap3A_528] {strides = array<i32>} : memref<16x128xi32, #tpu.memory_space<vmem>>, vector<16xi32>,
    tpu.vector_store %arg6[%swap3A_527, %swap3A_528], %add3A_525 {strides = array<i32>} : memref<16x128xi32, #tpu.memory_space<vmem>>, vector<16xi32>,
    %add3A_530 = arith.constant 1100000 : i32
    %add3A_531 = vector.broadcast %add3A_530 : i32 to vector<16xi32>
    %add3A_532 = arith.addi %get3A_452, %add3A_531 : vector<16xi32>
    %swap3A_533 = arith.constant 9 : i32
    %swap3A_534 = arith.index_cast %swap3A_533 : i32 to index
    %swap3A_535 = arith.constant 48 : index
    %swap3A_536 = tpu.vector_load %arg6[%swap3A_534, %swap3A_535] {strides = array<i32>} : memref<16x128xi32, #tpu.memory_space<vmem>>, vector<16xi32>,
    tpu.vector_store %arg6[%swap3A_534, %swap3A_535], %add3A_532 {strides = array<i32>} : memref<16x128xi32, #tpu.memory_space<vmem>>, vector<16xi32>,
    %add3A_537 = arith.constant 1200000 : i32
    %add3A_538 = vector.broadcast %add3A_537 : i32 to vector<16xi32>
    %add3A_539 = arith.addi %get3A_452, %add3A_538 : vector<16xi32>
    %swap3A_540 = arith.constant 9 : i32
    %swap3A_541 = arith.index_cast %swap3A_540 : i32 to index
    %swap3A_542 = arith.constant 64 : index
    %swap3A_543 = tpu.vector_load %arg6[%swap3A_541, %swap3A_542] {strides = array<i32>} : memref<16x128xi32, #tpu.memory_space<vmem>>, vector<16xi32>,
    tpu.vector_store %arg6[%swap3A_541, %swap3A_542], %add3A_539 {strides = array<i32>} : memref<16x128xi32, #tpu.memory_space<vmem>>, vector<16xi32>,
    %add3A_544 = arith.constant 1300000 : i32
    %add3A_545 = vector.broadcast %add3A_544 : i32 to vector<16xi32>
    %add3A_546 = arith.addi %get3A_452, %add3A_545 : vector<16xi32>
    %swap3A_547 = arith.constant 9 : i32
    %swap3A_548 = arith.index_cast %swap3A_547 : i32 to index
    %swap3A_549 = arith.constant 80 : index
    %swap3A_550 = tpu.vector_load %arg6[%swap3A_548, %swap3A_549] {strides = array<i32>} : memref<16x128xi32, #tpu.memory_space<vmem>>, vector<16xi32>,
    tpu.vector_store %arg6[%swap3A_548, %swap3A_549], %add3A_546 {strides = array<i32>} : memref<16x128xi32, #tpu.memory_space<vmem>>, vector<16xi32>,
    %add3A_551 = arith.constant 1400000 : i32
    %add3A_552 = vector.broadcast %add3A_551 : i32 to vector<16xi32>
    %add3A_553 = arith.addi %get3A_452, %add3A_552 : vector<16xi32>
    %swap3A_554 = arith.constant 9 : i32
    %swap3A_555 = arith.index_cast %swap3A_554 : i32 to index
    %swap3A_556 = arith.constant 96 : index
    %swap3A_557 = tpu.vector_load %arg6[%swap3A_555, %swap3A_556] {strides = array<i32>} : memref<16x128xi32, #tpu.memory_space<vmem>>, vector<16xi32>,
    tpu.vector_store %arg6[%swap3A_555, %swap3A_556], %add3A_553 {strides = array<i32>} : memref<16x128xi32, #tpu.memory_space<vmem>>, vector<16xi32>,
    %add3A_558 = arith.constant 1500000 : i32
    %add3A_559 = vector.broadcast %add3A_558 : i32 to vector<16xi32>
    %add3A_560 = arith.addi %get3A_452, %add3A_559 : vector<16xi32>
    %swap3A_561 = arith.constant 9 : i32
    %swap3A_562 = arith.index_cast %swap3A_561 : i32 to index
    %swap3A_563 = arith.constant 112 : index
    %swap3A_564 = tpu.vector_load %arg6[%swap3A_562, %swap3A_563] {strides = array<i32>} : memref<16x128xi32, #tpu.memory_space<vmem>>, vector<16xi32>,
    tpu.vector_store %arg6[%swap3A_562, %swap3A_563], %add3A_560 {strides = array<i32>} : memref<16x128xi32, #tpu.memory_space<vmem>>, vector<16xi32>,
    %add3A_565 = arith.constant 1600000 : i32
    %add3A_566 = vector.broadcast %add3A_565 : i32 to vector<16xi32>
    %add3A_567 = arith.addi %get3A_452, %add3A_566 : vector<16xi32>
    %swap3A_568 = arith.constant 10 : i32
    %swap3A_569 = arith.index_cast %swap3A_568 : i32 to index
    %swap3A_570 = arith.constant 0 : index
    %swap3A_571 = tpu.vector_load %arg6[%swap3A_569, %swap3A_570] {strides = array<i32>} : memref<16x128xi32, #tpu.memory_space<vmem>>, vector<16xi32>,
    tpu.vector_store %arg6[%swap3A_569, %swap3A_570], %add3A_567 {strides = array<i32>} : memref<16x128xi32, #tpu.memory_space<vmem>>, vector<16xi32>,
    %add3A_572 = arith.constant 1700000 : i32
    %add3A_573 = vector.broadcast %add3A_572 : i32 to vector<16xi32>
    %add3A_574 = arith.addi %get3A_452, %add3A_573 : vector<16xi32>
    %swap3A_575 = arith.constant 10 : i32
    %swap3A_576 = arith.index_cast %swap3A_575 : i32 to index
    %swap3A_577 = arith.constant 16 : index
    %swap3A_578 = tpu.vector_load %arg6[%swap3A_576, %swap3A_577] {strides = array<i32>} : memref<16x128xi32, #tpu.memory_space<vmem>>, vector<16xi32>,
    tpu.vector_store %arg6[%swap3A_576, %swap3A_577], %add3A_574 {strides = array<i32>} : memref<16x128xi32, #tpu.memory_space<vmem>>, vector<16xi32>,
    %add3A_579 = arith.constant 1800000 : i32
    %add3A_580 = vector.broadcast %add3A_579 : i32 to vector<16xi32>
    %add3A_581 = arith.addi %get3A_452, %add3A_580 : vector<16xi32>
    %swap3A_582 = arith.constant 10 : i32
    %swap3A_583 = arith.index_cast %swap3A_582 : i32 to index
    %swap3A_584 = arith.constant 32 : index
    %swap3A_585 = tpu.vector_load %arg6[%swap3A_583, %swap3A_584] {strides = array<i32>} : memref<16x128xi32, #tpu.memory_space<vmem>>, vector<16xi32>,
    tpu.vector_store %arg6[%swap3A_583, %swap3A_584], %add3A_581 {strides = array<i32>} : memref<16x128xi32, #tpu.memory_space<vmem>>, vector<16xi32>,
    %add3A_586 = arith.constant 1900000 : i32
    %add3A_587 = vector.broadcast %add3A_586 : i32 to vector<16xi32>
    %add3A_588 = arith.addi %get3A_452, %add3A_587 : vector<16xi32>
    %swap3A_589 = arith.constant 10 : i32
    %swap3A_590 = arith.index_cast %swap3A_589 : i32 to index
    %swap3A_591 = arith.constant 48 : index
    %swap3A_592 = tpu.vector_load %arg6[%swap3A_590, %swap3A_591] {strides = array<i32>} : memref<16x128xi32, #tpu.memory_space<vmem>>, vector<16xi32>,
    tpu.vector_store %arg6[%swap3A_590, %swap3A_591], %add3A_588 {strides = array<i32>} : memref<16x128xi32, #tpu.memory_space<vmem>>, vector<16xi32>,
    %add3A_593 = arith.constant 2000000 : i32
    %add3A_594 = vector.broadcast %add3A_593 : i32 to vector<16xi32>
    %add3A_595 = arith.addi %get3A_452, %add3A_594 : vector<16xi32>
    %swap3A_596 = arith.constant 10 : i32
    %swap3A_597 = arith.index_cast %swap3A_596 : i32 to index
    %swap3A_598 = arith.constant 64 : index
    %swap3A_599 = tpu.vector_load %arg6[%swap3A_597, %swap3A_598] {strides = array<i32>} : memref<16x128xi32, #tpu.memory_space<vmem>>, vector<16xi32>,
    tpu.vector_store %arg6[%swap3A_597, %swap3A_598], %add3A_595 {strides = array<i32>} : memref<16x128xi32, #tpu.memory_space<vmem>>, vector<16xi32>,
    %add3A_600 = arith.constant 2100000 : i32
    %add3A_601 = vector.broadcast %add3A_600 : i32 to vector<16xi32>
    %add3A_602 = arith.addi %get3A_452, %add3A_601 : vector<16xi32>
    %swap3A_603 = arith.constant 10 : i32
    %swap3A_604 = arith.index_cast %swap3A_603 : i32 to index
    %swap3A_605 = arith.constant 80 : index
    %swap3A_606 = tpu.vector_load %arg6[%swap3A_604, %swap3A_605] {strides = array<i32>} : memref<16x128xi32, #tpu.memory_space<vmem>>, vector<16xi32>,
    tpu.vector_store %arg6[%swap3A_604, %swap3A_605], %add3A_602 {strides = array<i32>} : memref<16x128xi32, #tpu.memory_space<vmem>>, vector<16xi32>,
    %add3A_607 = arith.constant 2200000 : i32
    %add3A_608 = vector.broadcast %add3A_607 : i32 to vector<16xi32>
    %add3A_609 = arith.addi %get3A_452, %add3A_608 : vector<16xi32>
    %swap3A_610 = arith.constant 10 : i32
    %swap3A_611 = arith.index_cast %swap3A_610 : i32 to index
    %swap3A_612 = arith.constant 96 : index
    %swap3A_613 = tpu.vector_load %arg6[%swap3A_611, %swap3A_612] {strides = array<i32>} : memref<16x128xi32, #tpu.memory_space<vmem>>, vector<16xi32>,
    tpu.vector_store %arg6[%swap3A_611, %swap3A_612], %add3A_609 {strides = array<i32>} : memref<16x128xi32, #tpu.memory_space<vmem>>, vector<16xi32>,
    %add3A_614 = arith.constant 2300000 : i32
    %add3A_615 = vector.broadcast %add3A_614 : i32 to vector<16xi32>
    %add3A_616 = arith.addi %get3A_452, %add3A_615 : vector<16xi32>
    %swap3A_617 = arith.constant 10 : i32
    %swap3A_618 = arith.index_cast %swap3A_617 : i32 to index
    %swap3A_619 = arith.constant 112 : index
    %swap3A_620 = tpu.vector_load %arg6[%swap3A_618, %swap3A_619] {strides = array<i32>} : memref<16x128xi32, #tpu.memory_space<vmem>>, vector<16xi32>,
    tpu.vector_store %arg6[%swap3A_618, %swap3A_619], %add3A_616 {strides = array<i32>} : memref<16x128xi32, #tpu.memory_space<vmem>>, vector<16xi32>,
    %add3A_621 = arith.constant 2400000 : i32
    %add3A_622 = vector.broadcast %add3A_621 : i32 to vector<16xi32>
    %add3A_623 = arith.addi %get3A_452, %add3A_622 : vector<16xi32>
    %swap3A_624 = arith.constant 11 : i32
    %swap3A_625 = arith.index_cast %swap3A_624 : i32 to index
    %swap3A_626 = arith.constant 0 : index
    %swap3A_627 = tpu.vector_load %arg6[%swap3A_625, %swap3A_626] {strides = array<i32>} : memref<16x128xi32, #tpu.memory_space<vmem>>, vector<16xi32>,
    tpu.vector_store %arg6[%swap3A_625, %swap3A_626], %add3A_623 {strides = array<i32>} : memref<16x128xi32, #tpu.memory_space<vmem>>, vector<16xi32>,
    %add3A_628 = arith.constant 2500000 : i32
    %add3A_629 = vector.broadcast %add3A_628 : i32 to vector<16xi32>
    %add3A_630 = arith.addi %get3A_452, %add3A_629 : vector<16xi32>
    %swap3A_631 = arith.constant 11 : i32
    %swap3A_632 = arith.index_cast %swap3A_631 : i32 to index
    %swap3A_633 = arith.constant 16 : index
    %swap3A_634 = tpu.vector_load %arg6[%swap3A_632, %swap3A_633] {strides = array<i32>} : memref<16x128xi32, #tpu.memory_space<vmem>>, vector<16xi32>,
    tpu.vector_store %arg6[%swap3A_632, %swap3A_633], %add3A_630 {strides = array<i32>} : memref<16x128xi32, #tpu.memory_space<vmem>>, vector<16xi32>,
    %add3A_635 = arith.constant 2600000 : i32
    %add3A_636 = vector.broadcast %add3A_635 : i32 to vector<16xi32>
    %add3A_637 = arith.addi %get3A_452, %add3A_636 : vector<16xi32>
    %swap3A_638 = arith.constant 11 : i32
    %swap3A_639 = arith.index_cast %swap3A_638 : i32 to index
    %swap3A_640 = arith.constant 32 : index
    %swap3A_641 = tpu.vector_load %arg6[%swap3A_639, %swap3A_640] {strides = array<i32>} : memref<16x128xi32, #tpu.memory_space<vmem>>, vector<16xi32>,
    tpu.vector_store %arg6[%swap3A_639, %swap3A_640], %add3A_637 {strides = array<i32>} : memref<16x128xi32, #tpu.memory_space<vmem>>, vector<16xi32>,
    %add3A_642 = arith.constant 2700000 : i32
    %add3A_643 = vector.broadcast %add3A_642 : i32 to vector<16xi32>
    %add3A_644 = arith.addi %get3A_452, %add3A_643 : vector<16xi32>
    %swap3A_645 = arith.constant 11 : i32
    %swap3A_646 = arith.index_cast %swap3A_645 : i32 to index
    %swap3A_647 = arith.constant 48 : index
    %swap3A_648 = tpu.vector_load %arg6[%swap3A_646, %swap3A_647] {strides = array<i32>} : memref<16x128xi32, #tpu.memory_space<vmem>>, vector<16xi32>,
    tpu.vector_store %arg6[%swap3A_646, %swap3A_647], %add3A_644 {strides = array<i32>} : memref<16x128xi32, #tpu.memory_space<vmem>>, vector<16xi32>,
    %add3A_649 = arith.constant 2800000 : i32
    %add3A_650 = vector.broadcast %add3A_649 : i32 to vector<16xi32>
    %add3A_651 = arith.addi %get3A_452, %add3A_650 : vector<16xi32>
    %swap3A_652 = arith.constant 11 : i32
    %swap3A_653 = arith.index_cast %swap3A_652 : i32 to index
    %swap3A_654 = arith.constant 64 : index
    %swap3A_655 = tpu.vector_load %arg6[%swap3A_653, %swap3A_654] {strides = array<i32>} : memref<16x128xi32, #tpu.memory_space<vmem>>, vector<16xi32>,
    tpu.vector_store %arg6[%swap3A_653, %swap3A_654], %add3A_651 {strides = array<i32>} : memref<16x128xi32, #tpu.memory_space<vmem>>, vector<16xi32>,
    %add3A_656 = arith.constant 2900000 : i32
    %add3A_657 = vector.broadcast %add3A_656 : i32 to vector<16xi32>
    %add3A_658 = arith.addi %get3A_452, %add3A_657 : vector<16xi32>
    %swap3A_659 = arith.constant 11 : i32
    %swap3A_660 = arith.index_cast %swap3A_659 : i32 to index
    %swap3A_661 = arith.constant 80 : index
    %swap3A_662 = tpu.vector_load %arg6[%swap3A_660, %swap3A_661] {strides = array<i32>} : memref<16x128xi32, #tpu.memory_space<vmem>>, vector<16xi32>,
    tpu.vector_store %arg6[%swap3A_660, %swap3A_661], %add3A_658 {strides = array<i32>} : memref<16x128xi32, #tpu.memory_space<vmem>>, vector<16xi32>,
    %add3A_663 = arith.constant 3000000 : i32
    %add3A_664 = vector.broadcast %add3A_663 : i32 to vector<16xi32>
    %add3A_665 = arith.addi %get3A_452, %add3A_664 : vector<16xi32>
    %swap3A_666 = arith.constant 11 : i32
    %swap3A_667 = arith.index_cast %swap3A_666 : i32 to index
    %swap3A_668 = arith.constant 96 : index
    %swap3A_669 = tpu.vector_load %arg6[%swap3A_667, %swap3A_668] {strides = array<i32>} : memref<16x128xi32, #tpu.memory_space<vmem>>, vector<16xi32>,
    tpu.vector_store %arg6[%swap3A_667, %swap3A_668], %add3A_665 {strides = array<i32>} : memref<16x128xi32, #tpu.memory_space<vmem>>, vector<16xi32>,
    %add3A_670 = arith.constant 3100000 : i32
    %add3A_671 = vector.broadcast %add3A_670 : i32 to vector<16xi32>
    %add3A_672 = arith.addi %get3A_452, %add3A_671 : vector<16xi32>
    %swap3A_673 = arith.constant 11 : i32
    %swap3A_674 = arith.index_cast %swap3A_673 : i32 to index
    %swap3A_675 = arith.constant 112 : index
    %swap3A_676 = tpu.vector_load %arg6[%swap3A_674, %swap3A_675] {strides = array<i32>} : memref<16x128xi32, #tpu.memory_space<vmem>>, vector<16xi32>,
    tpu.vector_store %arg6[%swap3A_674, %swap3A_675], %add3A_672 {strides = array<i32>} : memref<16x128xi32, #tpu.memory_space<vmem>>, vector<16xi32>,
    %add3A_677 = arith.constant 3200000 : i32
    %add3A_678 = vector.broadcast %add3A_677 : i32 to vector<16xi32>
    %add3A_679 = arith.addi %get3A_452, %add3A_678 : vector<16xi32>
    %swap3A_680 = arith.constant 12 : i32
    %swap3A_681 = arith.index_cast %swap3A_680 : i32 to index
    %swap3A_682 = arith.constant 0 : index
    %swap3A_683 = tpu.vector_load %arg6[%swap3A_681, %swap3A_682] {strides = array<i32>} : memref<16x128xi32, #tpu.memory_space<vmem>>, vector<16xi32>,
    tpu.vector_store %arg6[%swap3A_681, %swap3A_682], %add3A_679 {strides = array<i32>} : memref<16x128xi32, #tpu.memory_space<vmem>>, vector<16xi32>,
    %add3A_684 = arith.constant 3300000 : i32
    %add3A_685 = vector.broadcast %add3A_684 : i32 to vector<16xi32>
    %add3A_686 = arith.addi %get3A_452, %add3A_685 : vector<16xi32>
    %swap3A_687 = arith.constant 12 : i32
    %swap3A_688 = arith.index_cast %swap3A_687 : i32 to index
    %swap3A_689 = arith.constant 16 : index
    %swap3A_690 = tpu.vector_load %arg6[%swap3A_688, %swap3A_689] {strides = array<i32>} : memref<16x128xi32, #tpu.memory_space<vmem>>, vector<16xi32>,
    tpu.vector_store %arg6[%swap3A_688, %swap3A_689], %add3A_686 {strides = array<i32>} : memref<16x128xi32, #tpu.memory_space<vmem>>, vector<16xi32>,
    %add3A_691 = arith.constant 3400000 : i32
    %add3A_692 = vector.broadcast %add3A_691 : i32 to vector<16xi32>
    %add3A_693 = arith.addi %get3A_452, %add3A_692 : vector<16xi32>
    %swap3A_694 = arith.constant 12 : i32
    %swap3A_695 = arith.index_cast %swap3A_694 : i32 to index
    %swap3A_696 = arith.constant 32 : index
    %swap3A_697 = tpu.vector_load %arg6[%swap3A_695, %swap3A_696] {strides = array<i32>} : memref<16x128xi32, #tpu.memory_space<vmem>>, vector<16xi32>,
    tpu.vector_store %arg6[%swap3A_695, %swap3A_696], %add3A_693 {strides = array<i32>} : memref<16x128xi32, #tpu.memory_space<vmem>>, vector<16xi32>,
    %add3A_698 = arith.constant 3500000 : i32
    %add3A_699 = vector.broadcast %add3A_698 : i32 to vector<16xi32>
    %add3A_700 = arith.addi %get3A_452, %add3A_699 : vector<16xi32>
    %swap3A_701 = arith.constant 12 : i32
    %swap3A_702 = arith.index_cast %swap3A_701 : i32 to index
    %swap3A_703 = arith.constant 48 : index
    %swap3A_704 = tpu.vector_load %arg6[%swap3A_702, %swap3A_703] {strides = array<i32>} : memref<16x128xi32, #tpu.memory_space<vmem>>, vector<16xi32>,
    tpu.vector_store %arg6[%swap3A_702, %swap3A_703], %add3A_700 {strides = array<i32>} : memref<16x128xi32, #tpu.memory_space<vmem>>, vector<16xi32>,
    %add3A_705 = arith.constant 3600000 : i32
    %add3A_706 = vector.broadcast %add3A_705 : i32 to vector<16xi32>
    %add3A_707 = arith.addi %get3A_452, %add3A_706 : vector<16xi32>
    %swap3A_708 = arith.constant 12 : i32
    %swap3A_709 = arith.index_cast %swap3A_708 : i32 to index
    %swap3A_710 = arith.constant 64 : index
    %swap3A_711 = tpu.vector_load %arg6[%swap3A_709, %swap3A_710] {strides = array<i32>} : memref<16x128xi32, #tpu.memory_space<vmem>>, vector<16xi32>,
    tpu.vector_store %arg6[%swap3A_709, %swap3A_710], %add3A_707 {strides = array<i32>} : memref<16x128xi32, #tpu.memory_space<vmem>>, vector<16xi32>,
    %add3A_712 = arith.constant 3700000 : i32
    %add3A_713 = vector.broadcast %add3A_712 : i32 to vector<16xi32>
    %add3A_714 = arith.addi %get3A_452, %add3A_713 : vector<16xi32>
    %swap3A_715 = arith.constant 12 : i32
    %swap3A_716 = arith.index_cast %swap3A_715 : i32 to index
    %swap3A_717 = arith.constant 80 : index
    %swap3A_718 = tpu.vector_load %arg6[%swap3A_716, %swap3A_717] {strides = array<i32>} : memref<16x128xi32, #tpu.memory_space<vmem>>, vector<16xi32>,
    tpu.vector_store %arg6[%swap3A_716, %swap3A_717], %add3A_714 {strides = array<i32>} : memref<16x128xi32, #tpu.memory_space<vmem>>, vector<16xi32>,
    %add3A_719 = arith.constant 3800000 : i32
    %add3A_720 = vector.broadcast %add3A_719 : i32 to vector<16xi32>
    %add3A_721 = arith.addi %get3A_452, %add3A_720 : vector<16xi32>
    %swap3A_722 = arith.constant 12 : i32
    %swap3A_723 = arith.index_cast %swap3A_722 : i32 to index
    %swap3A_724 = arith.constant 96 : index
    %swap3A_725 = tpu.vector_load %arg6[%swap3A_723, %swap3A_724] {strides = array<i32>} : memref<16x128xi32, #tpu.memory_space<vmem>>, vector<16xi32>,
    tpu.vector_store %arg6[%swap3A_723, %swap3A_724], %add3A_721 {strides = array<i32>} : memref<16x128xi32, #tpu.memory_space<vmem>>, vector<16xi32>,
    %add3A_726 = arith.constant 3900000 : i32
    %add3A_727 = vector.broadcast %add3A_726 : i32 to vector<16xi32>
    %add3A_728 = arith.addi %get3A_452, %add3A_727 : vector<16xi32>
    %swap3A_729 = arith.constant 12 : i32
    %swap3A_730 = arith.index_cast %swap3A_729 : i32 to index
    %swap3A_731 = arith.constant 112 : index
    %swap3A_732 = tpu.vector_load %arg6[%swap3A_730, %swap3A_731] {strides = array<i32>} : memref<16x128xi32, #tpu.memory_space<vmem>>, vector<16xi32>,
    tpu.vector_store %arg6[%swap3A_730, %swap3A_731], %add3A_728 {strides = array<i32>} : memref<16x128xi32, #tpu.memory_space<vmem>>, vector<16xi32>,
    %add3A_733 = arith.constant 4000000 : i32
    %add3A_734 = vector.broadcast %add3A_733 : i32 to vector<16xi32>
    %add3A_735 = arith.addi %get3A_452, %add3A_734 : vector<16xi32>
    %swap3A_736 = arith.constant 13 : i32
    %swap3A_737 = arith.index_cast %swap3A_736 : i32 to index
    %swap3A_738 = arith.constant 0 : index
    %swap3A_739 = tpu.vector_load %arg6[%swap3A_737, %swap3A_738] {strides = array<i32>} : memref<16x128xi32, #tpu.memory_space<vmem>>, vector<16xi32>,
    tpu.vector_store %arg6[%swap3A_737, %swap3A_738], %add3A_735 {strides = array<i32>} : memref<16x128xi32, #tpu.memory_space<vmem>>, vector<16xi32>,
    %add3A_740 = arith.constant 4100000 : i32
    %add3A_741 = vector.broadcast %add3A_740 : i32 to vector<16xi32>
    %add3A_742 = arith.addi %get3A_452, %add3A_741 : vector<16xi32>
    %swap3A_743 = arith.constant 13 : i32
    %swap3A_744 = arith.index_cast %swap3A_743 : i32 to index
    %swap3A_745 = arith.constant 16 : index
    %swap3A_746 = tpu.vector_load %arg6[%swap3A_744, %swap3A_745] {strides = array<i32>} : memref<16x128xi32, #tpu.memory_space<vmem>>, vector<16xi32>,
    tpu.vector_store %arg6[%swap3A_744, %swap3A_745], %add3A_742 {strides = array<i32>} : memref<16x128xi32, #tpu.memory_space<vmem>>, vector<16xi32>,
    %add3A_747 = arith.constant 4200000 : i32
    %add3A_748 = vector.broadcast %add3A_747 : i32 to vector<16xi32>
    %add3A_749 = arith.addi %get3A_452, %add3A_748 : vector<16xi32>
    %swap3A_750 = arith.constant 13 : i32
    %swap3A_751 = arith.index_cast %swap3A_750 : i32 to index
    %swap3A_752 = arith.constant 32 : index
    %swap3A_753 = tpu.vector_load %arg6[%swap3A_751, %swap3A_752] {strides = array<i32>} : memref<16x128xi32, #tpu.memory_space<vmem>>, vector<16xi32>,
    tpu.vector_store %arg6[%swap3A_751, %swap3A_752], %add3A_749 {strides = array<i32>} : memref<16x128xi32, #tpu.memory_space<vmem>>, vector<16xi32>,
    %add3A_754 = arith.constant 4300000 : i32
    %add3A_755 = vector.broadcast %add3A_754 : i32 to vector<16xi32>
    %add3A_756 = arith.addi %get3A_452, %add3A_755 : vector<16xi32>
    %swap3A_757 = arith.constant 13 : i32
    %swap3A_758 = arith.index_cast %swap3A_757 : i32 to index
    %swap3A_759 = arith.constant 48 : index
    %swap3A_760 = tpu.vector_load %arg6[%swap3A_758, %swap3A_759] {strides = array<i32>} : memref<16x128xi32, #tpu.memory_space<vmem>>, vector<16xi32>,
    tpu.vector_store %arg6[%swap3A_758, %swap3A_759], %add3A_756 {strides = array<i32>} : memref<16x128xi32, #tpu.memory_space<vmem>>, vector<16xi32>,
    %add3A_761 = arith.constant 4400000 : i32
    %add3A_762 = vector.broadcast %add3A_761 : i32 to vector<16xi32>
    %add3A_763 = arith.addi %get3A_452, %add3A_762 : vector<16xi32>
    %swap3A_764 = arith.constant 13 : i32
    %swap3A_765 = arith.index_cast %swap3A_764 : i32 to index
    %swap3A_766 = arith.constant 64 : index
    %swap3A_767 = tpu.vector_load %arg6[%swap3A_765, %swap3A_766] {strides = array<i32>} : memref<16x128xi32, #tpu.memory_space<vmem>>, vector<16xi32>,
    tpu.vector_store %arg6[%swap3A_765, %swap3A_766], %add3A_763 {strides = array<i32>} : memref<16x128xi32, #tpu.memory_space<vmem>>, vector<16xi32>,
    %add3A_768 = arith.constant 4500000 : i32
    %add3A_769 = vector.broadcast %add3A_768 : i32 to vector<16xi32>
    %add3A_770 = arith.addi %get3A_452, %add3A_769 : vector<16xi32>
    %swap3A_771 = arith.constant 13 : i32
    %swap3A_772 = arith.index_cast %swap3A_771 : i32 to index
    %swap3A_773 = arith.constant 80 : index
    %swap3A_774 = tpu.vector_load %arg6[%swap3A_772, %swap3A_773] {strides = array<i32>} : memref<16x128xi32, #tpu.memory_space<vmem>>, vector<16xi32>,
    tpu.vector_store %arg6[%swap3A_772, %swap3A_773], %add3A_770 {strides = array<i32>} : memref<16x128xi32, #tpu.memory_space<vmem>>, vector<16xi32>,
    %add3A_775 = arith.constant 4600000 : i32
    %add3A_776 = vector.broadcast %add3A_775 : i32 to vector<16xi32>
    %add3A_777 = arith.addi %get3A_452, %add3A_776 : vector<16xi32>
    %swap3A_778 = arith.constant 13 : i32
    %swap3A_779 = arith.index_cast %swap3A_778 : i32 to index
    %swap3A_780 = arith.constant 96 : index
    %swap3A_781 = tpu.vector_load %arg6[%swap3A_779, %swap3A_780] {strides = array<i32>} : memref<16x128xi32, #tpu.memory_space<vmem>>, vector<16xi32>,
    tpu.vector_store %arg6[%swap3A_779, %swap3A_780], %add3A_777 {strides = array<i32>} : memref<16x128xi32, #tpu.memory_space<vmem>>, vector<16xi32>,
    %add3A_782 = arith.constant 4700000 : i32
    %add3A_783 = vector.broadcast %add3A_782 : i32 to vector<16xi32>
    %add3A_784 = arith.addi %get3A_452, %add3A_783 : vector<16xi32>
    %swap3A_785 = arith.constant 13 : i32
    %swap3A_786 = arith.index_cast %swap3A_785 : i32 to index
    %swap3A_787 = arith.constant 112 : index
    %swap3A_788 = tpu.vector_load %arg6[%swap3A_786, %swap3A_787] {strides = array<i32>} : memref<16x128xi32, #tpu.memory_space<vmem>>, vector<16xi32>,
    tpu.vector_store %arg6[%swap3A_786, %swap3A_787], %add3A_784 {strides = array<i32>} : memref<16x128xi32, #tpu.memory_space<vmem>>, vector<16xi32>,
    %add3A_789 = arith.constant 4800000 : i32
    %add3A_790 = vector.broadcast %add3A_789 : i32 to vector<16xi32>
    %add3A_791 = arith.addi %get3A_452, %add3A_790 : vector<16xi32>
    %swap3A_792 = arith.constant 14 : i32
    %swap3A_793 = arith.index_cast %swap3A_792 : i32 to index
    %swap3A_794 = arith.constant 0 : index
    %swap3A_795 = tpu.vector_load %arg6[%swap3A_793, %swap3A_794] {strides = array<i32>} : memref<16x128xi32, #tpu.memory_space<vmem>>, vector<16xi32>,
    tpu.vector_store %arg6[%swap3A_793, %swap3A_794], %add3A_791 {strides = array<i32>} : memref<16x128xi32, #tpu.memory_space<vmem>>, vector<16xi32>,
    %add3A_796 = arith.constant 4900000 : i32
    %add3A_797 = vector.broadcast %add3A_796 : i32 to vector<16xi32>
    %add3A_798 = arith.addi %get3A_452, %add3A_797 : vector<16xi32>
    %swap3A_799 = arith.constant 14 : i32
    %swap3A_800 = arith.index_cast %swap3A_799 : i32 to index
    %swap3A_801 = arith.constant 16 : index
    %swap3A_802 = tpu.vector_load %arg6[%swap3A_800, %swap3A_801] {strides = array<i32>} : memref<16x128xi32, #tpu.memory_space<vmem>>, vector<16xi32>,
    tpu.vector_store %arg6[%swap3A_800, %swap3A_801], %add3A_798 {strides = array<i32>} : memref<16x128xi32, #tpu.memory_space<vmem>>, vector<16xi32>,
    %add3A_803 = arith.constant 5000000 : i32
    %add3A_804 = vector.broadcast %add3A_803 : i32 to vector<16xi32>
    %add3A_805 = arith.addi %get3A_452, %add3A_804 : vector<16xi32>
    %swap3A_806 = arith.constant 14 : i32
    %swap3A_807 = arith.index_cast %swap3A_806 : i32 to index
    %swap3A_808 = arith.constant 32 : index
    %swap3A_809 = tpu.vector_load %arg6[%swap3A_807, %swap3A_808] {strides = array<i32>} : memref<16x128xi32, #tpu.memory_space<vmem>>, vector<16xi32>,
    tpu.vector_store %arg6[%swap3A_807, %swap3A_808], %add3A_805 {strides = array<i32>} : memref<16x128xi32, #tpu.memory_space<vmem>>, vector<16xi32>,
    %add3A_810 = arith.constant 5100000 : i32
    %add3A_811 = vector.broadcast %add3A_810 : i32 to vector<16xi32>
    %add3A_812 = arith.addi %get3A_452, %add3A_811 : vector<16xi32>
    %swap3A_813 = arith.constant 14 : i32
    %swap3A_814 = arith.index_cast %swap3A_813 : i32 to index
    %swap3A_815 = arith.constant 48 : index
    %swap3A_816 = tpu.vector_load %arg6[%swap3A_814, %swap3A_815] {strides = array<i32>} : memref<16x128xi32, #tpu.memory_space<vmem>>, vector<16xi32>,
    tpu.vector_store %arg6[%swap3A_814, %swap3A_815], %add3A_812 {strides = array<i32>} : memref<16x128xi32, #tpu.memory_space<vmem>>, vector<16xi32>,
    %add3A_817 = arith.constant 5200000 : i32
    %add3A_818 = vector.broadcast %add3A_817 : i32 to vector<16xi32>
    %add3A_819 = arith.addi %get3A_452, %add3A_818 : vector<16xi32>
    %swap3A_820 = arith.constant 14 : i32
    %swap3A_821 = arith.index_cast %swap3A_820 : i32 to index
    %swap3A_822 = arith.constant 64 : index
    %swap3A_823 = tpu.vector_load %arg6[%swap3A_821, %swap3A_822] {strides = array<i32>} : memref<16x128xi32, #tpu.memory_space<vmem>>, vector<16xi32>,
    tpu.vector_store %arg6[%swap3A_821, %swap3A_822], %add3A_819 {strides = array<i32>} : memref<16x128xi32, #tpu.memory_space<vmem>>, vector<16xi32>,
    %add3A_824 = arith.constant 5300000 : i32
    %add3A_825 = vector.broadcast %add3A_824 : i32 to vector<16xi32>
    %add3A_826 = arith.addi %get3A_452, %add3A_825 : vector<16xi32>
    %swap3A_827 = arith.constant 14 : i32
    %swap3A_828 = arith.index_cast %swap3A_827 : i32 to index
    %swap3A_829 = arith.constant 80 : index
    %swap3A_830 = tpu.vector_load %arg6[%swap3A_828, %swap3A_829] {strides = array<i32>} : memref<16x128xi32, #tpu.memory_space<vmem>>, vector<16xi32>,
    tpu.vector_store %arg6[%swap3A_828, %swap3A_829], %add3A_826 {strides = array<i32>} : memref<16x128xi32, #tpu.memory_space<vmem>>, vector<16xi32>,
    %add3A_831 = arith.constant 5400000 : i32
    %add3A_832 = vector.broadcast %add3A_831 : i32 to vector<16xi32>
    %add3A_833 = arith.addi %get3A_452, %add3A_832 : vector<16xi32>
    %swap3A_834 = arith.constant 14 : i32
    %swap3A_835 = arith.index_cast %swap3A_834 : i32 to index
    %swap3A_836 = arith.constant 96 : index
    %swap3A_837 = tpu.vector_load %arg6[%swap3A_835, %swap3A_836] {strides = array<i32>} : memref<16x128xi32, #tpu.memory_space<vmem>>, vector<16xi32>,
    tpu.vector_store %arg6[%swap3A_835, %swap3A_836], %add3A_833 {strides = array<i32>} : memref<16x128xi32, #tpu.memory_space<vmem>>, vector<16xi32>,
    %add3A_838 = arith.constant 5500000 : i32
    %add3A_839 = vector.broadcast %add3A_838 : i32 to vector<16xi32>
    %add3A_840 = arith.addi %get3A_452, %add3A_839 : vector<16xi32>
    %swap3A_841 = arith.constant 14 : i32
    %swap3A_842 = arith.index_cast %swap3A_841 : i32 to index
    %swap3A_843 = arith.constant 112 : index
    %swap3A_844 = tpu.vector_load %arg6[%swap3A_842, %swap3A_843] {strides = array<i32>} : memref<16x128xi32, #tpu.memory_space<vmem>>, vector<16xi32>,
    tpu.vector_store %arg6[%swap3A_842, %swap3A_843], %add3A_840 {strides = array<i32>} : memref<16x128xi32, #tpu.memory_space<vmem>>, vector<16xi32>,
    %add3A_845 = arith.constant 5600000 : i32
    %add3A_846 = vector.broadcast %add3A_845 : i32 to vector<16xi32>
    %add3A_847 = arith.addi %get3A_452, %add3A_846 : vector<16xi32>
    %swap3A_848 = arith.constant 15 : i32
    %swap3A_849 = arith.index_cast %swap3A_848 : i32 to index
    %swap3A_850 = arith.constant 0 : index
    %swap3A_851 = tpu.vector_load %arg6[%swap3A_849, %swap3A_850] {strides = array<i32>} : memref<16x128xi32, #tpu.memory_space<vmem>>, vector<16xi32>,
    tpu.vector_store %arg6[%swap3A_849, %swap3A_850], %add3A_847 {strides = array<i32>} : memref<16x128xi32, #tpu.memory_space<vmem>>, vector<16xi32>,
    %add3A_852 = arith.constant 5700000 : i32
    %add3A_853 = vector.broadcast %add3A_852 : i32 to vector<16xi32>
    %add3A_854 = arith.addi %get3A_452, %add3A_853 : vector<16xi32>
    %swap3A_855 = arith.constant 15 : i32
    %swap3A_856 = arith.index_cast %swap3A_855 : i32 to index
    %swap3A_857 = arith.constant 16 : index
    %swap3A_858 = tpu.vector_load %arg6[%swap3A_856, %swap3A_857] {strides = array<i32>} : memref<16x128xi32, #tpu.memory_space<vmem>>, vector<16xi32>,
    tpu.vector_store %arg6[%swap3A_856, %swap3A_857], %add3A_854 {strides = array<i32>} : memref<16x128xi32, #tpu.memory_space<vmem>>, vector<16xi32>,
    %add3A_859 = arith.constant 5800000 : i32
    %add3A_860 = vector.broadcast %add3A_859 : i32 to vector<16xi32>
    %add3A_861 = arith.addi %get3A_452, %add3A_860 : vector<16xi32>
    %swap3A_862 = arith.constant 15 : i32
    %swap3A_863 = arith.index_cast %swap3A_862 : i32 to index
    %swap3A_864 = arith.constant 32 : index
    %swap3A_865 = tpu.vector_load %arg6[%swap3A_863, %swap3A_864] {strides = array<i32>} : memref<16x128xi32, #tpu.memory_space<vmem>>, vector<16xi32>,
    tpu.vector_store %arg6[%swap3A_863, %swap3A_864], %add3A_861 {strides = array<i32>} : memref<16x128xi32, #tpu.memory_space<vmem>>, vector<16xi32>,
    %add3A_866 = arith.constant 5900000 : i32
    %add3A_867 = vector.broadcast %add3A_866 : i32 to vector<16xi32>
    %add3A_868 = arith.addi %get3A_452, %add3A_867 : vector<16xi32>
    %swap3A_869 = arith.constant 15 : i32
    %swap3A_870 = arith.index_cast %swap3A_869 : i32 to index
    %swap3A_871 = arith.constant 48 : index
    %swap3A_872 = tpu.vector_load %arg6[%swap3A_870, %swap3A_871] {strides = array<i32>} : memref<16x128xi32, #tpu.memory_space<vmem>>, vector<16xi32>,
    tpu.vector_store %arg6[%swap3A_870, %swap3A_871], %add3A_868 {strides = array<i32>} : memref<16x128xi32, #tpu.memory_space<vmem>>, vector<16xi32>,
    %add3A_873 = arith.constant 6000000 : i32
    %add3A_874 = vector.broadcast %add3A_873 : i32 to vector<16xi32>
    %add3A_875 = arith.addi %get3A_452, %add3A_874 : vector<16xi32>
    %swap3A_876 = arith.constant 15 : i32
    %swap3A_877 = arith.index_cast %swap3A_876 : i32 to index
    %swap3A_878 = arith.constant 64 : index
    %swap3A_879 = tpu.vector_load %arg6[%swap3A_877, %swap3A_878] {strides = array<i32>} : memref<16x128xi32, #tpu.memory_space<vmem>>, vector<16xi32>,
    tpu.vector_store %arg6[%swap3A_877, %swap3A_878], %add3A_875 {strides = array<i32>} : memref<16x128xi32, #tpu.memory_space<vmem>>, vector<16xi32>,
    %add3A_880 = arith.constant 6100000 : i32
    %add3A_881 = vector.broadcast %add3A_880 : i32 to vector<16xi32>
    %add3A_882 = arith.addi %get3A_452, %add3A_881 : vector<16xi32>
    %swap3A_883 = arith.constant 15 : i32
    %swap3A_884 = arith.index_cast %swap3A_883 : i32 to index
    %swap3A_885 = arith.constant 80 : index
    %swap3A_886 = tpu.vector_load %arg6[%swap3A_884, %swap3A_885] {strides = array<i32>} : memref<16x128xi32, #tpu.memory_space<vmem>>, vector<16xi32>,
    tpu.vector_store %arg6[%swap3A_884, %swap3A_885], %add3A_882 {strides = array<i32>} : memref<16x128xi32, #tpu.memory_space<vmem>>, vector<16xi32>,
    %add3A_887 = arith.constant 6200000 : i32
    %add3A_888 = vector.broadcast %add3A_887 : i32 to vector<16xi32>
    %add3A_889 = arith.addi %get3A_452, %add3A_888 : vector<16xi32>
    %swap3A_890 = arith.constant 15 : i32
    %swap3A_891 = arith.index_cast %swap3A_890 : i32 to index
    %swap3A_892 = arith.constant 96 : index
    %swap3A_893 = tpu.vector_load %arg6[%swap3A_891, %swap3A_892] {strides = array<i32>} : memref<16x128xi32, #tpu.memory_space<vmem>>, vector<16xi32>,
    tpu.vector_store %arg6[%swap3A_891, %swap3A_892], %add3A_889 {strides = array<i32>} : memref<16x128xi32, #tpu.memory_space<vmem>>, vector<16xi32>,
    %add3A_894 = arith.constant 6300000 : i32
    %add3A_895 = vector.broadcast %add3A_894 : i32 to vector<16xi32>
    %add3A_896 = arith.addi %get3A_452, %add3A_895 : vector<16xi32>
    %swap3A_897 = arith.constant 15 : i32
    %swap3A_898 = arith.index_cast %swap3A_897 : i32 to index
    %swap3A_899 = arith.constant 112 : index
    %swap3A_900 = tpu.vector_load %arg6[%swap3A_898, %swap3A_899] {strides = array<i32>} : memref<16x128xi32, #tpu.memory_space<vmem>>, vector<16xi32>,
    tpu.vector_store %arg6[%swap3A_898, %swap3A_899], %add3A_896 {strides = array<i32>} : memref<16x128xi32, #tpu.memory_space<vmem>>, vector<16xi32>,
    %dma_start3A = arith.constant 0 : i32
    %dma_start3A_901 = arith.constant 0 : i32
    %dma_start3A_902 = arith.constant 0 : i32
    %dma_start3A_903 = tpu.memref_slice %arg7[%dma_start3A_901, %dma_start3A_902] : memref<16x128xf32, #tpu.memory_space<vmem>> -> memref<1x128xf32, #tpu.memory_space<vmem>>
    %dma_start3A_904 = tpu.memref_squeeze %dma_start3A_903 : memref<1x128xf32, #tpu.memory_space<vmem>> -> memref<128xf32, #tpu.memory_space<vmem>>
    %dma_start3A_905 = arith.constant 0 : i32
    %dma_start3A_906 = tpu.memref_slice %arg6[%dma_start3A, %dma_start3A_905] : memref<16x128xi32, #tpu.memory_space<vmem>> -> memref<1x128xi32, #tpu.memory_space<vmem>>
    %dma_start3A_907 = tpu.memref_squeeze %dma_start3A_906 : memref<1x128xi32, #tpu.memory_space<vmem>> -> memref<128xi32, #tpu.memory_space<vmem>>
    %dma_start3A_908 = arith.constant 0 : i32
    %dma_start3A_909 = tpu.memref_slice %arg2[%dma_start3A_908] : memref<6400000xf32, #tpu.memory_space<hbm>> -> memref<6400000xf32, #tpu.memory_space<hbm>>
    tpu.enqueue_indirect_dma source(%dma_start3A_909 : memref<6400000xf32, #tpu.memory_space<hbm>>) target(%dma_start3A_904 : memref<128xf32, #tpu.memory_space<vmem>>) offsets(%dma_start3A_907 : memref<128xi32, #tpu.memory_space<vmem>>) semaphore(%arg8 : memref<!tpu.dma_semaphore, #tpu.memory_space<semaphore_mem>>)
    %dma_start3A_910 = arith.constant 1 : i32
    %dma_start3A_911 = arith.constant 1 : i32
    %dma_start3A_912 = arith.constant 0 : i32
    %dma_start3A_913 = tpu.memref_slice %arg7[%dma_start3A_911, %dma_start3A_912] : memref<16x128xf32, #tpu.memory_space<vmem>> -> memref<1x128xf32, #tpu.memory_space<vmem>>
    %dma_start3A_914 = tpu.memref_squeeze %dma_start3A_913 : memref<1x128xf32, #tpu.memory_space<vmem>> -> memref<128xf32, #tpu.memory_space<vmem>>
    %dma_start3A_915 = arith.constant 0 : i32
    %dma_start3A_916 = tpu.memref_slice %arg6[%dma_start3A_910, %dma_start3A_915] : memref<16x128xi32, #tpu.memory_space<vmem>> -> memref<1x128xi32, #tpu.memory_space<vmem>>
    %dma_start3A_917 = tpu.memref_squeeze %dma_start3A_916 : memref<1x128xi32, #tpu.memory_space<vmem>> -> memref<128xi32, #tpu.memory_space<vmem>>
    %dma_start3A_918 = arith.constant 0 : i32
    %dma_start3A_919 = tpu.memref_slice %arg2[%dma_start3A_918] : memref<6400000xf32, #tpu.memory_space<hbm>> -> memref<6400000xf32, #tpu.memory_space<hbm>>
    tpu.enqueue_indirect_dma source(%dma_start3A_919 : memref<6400000xf32, #tpu.memory_space<hbm>>) target(%dma_start3A_914 : memref<128xf32, #tpu.memory_space<vmem>>) offsets(%dma_start3A_917 : memref<128xi32, #tpu.memory_space<vmem>>) semaphore(%arg8 : memref<!tpu.dma_semaphore, #tpu.memory_space<semaphore_mem>>)
    %dma_start3A_920 = arith.constant 2 : i32
    %dma_start3A_921 = arith.constant 2 : i32
    %dma_start3A_922 = arith.constant 0 : i32
    %dma_start3A_923 = tpu.memref_slice %arg7[%dma_start3A_921, %dma_start3A_922] : memref<16x128xf32, #tpu.memory_space<vmem>> -> memref<1x128xf32, #tpu.memory_space<vmem>>
    %dma_start3A_924 = tpu.memref_squeeze %dma_start3A_923 : memref<1x128xf32, #tpu.memory_space<vmem>> -> memref<128xf32, #tpu.memory_space<vmem>>
    %dma_start3A_925 = arith.constant 0 : i32
    %dma_start3A_926 = tpu.memref_slice %arg6[%dma_start3A_920, %dma_start3A_925] : memref<16x128xi32, #tpu.memory_space<vmem>> -> memref<1x128xi32, #tpu.memory_space<vmem>>
    %dma_start3A_927 = tpu.memref_squeeze %dma_start3A_926 : memref<1x128xi32, #tpu.memory_space<vmem>> -> memref<128xi32, #tpu.memory_space<vmem>>
    %dma_start3A_928 = arith.constant 0 : i32
    %dma_start3A_929 = tpu.memref_slice %arg2[%dma_start3A_928] : memref<6400000xf32, #tpu.memory_space<hbm>> -> memref<6400000xf32, #tpu.memory_space<hbm>>
    tpu.enqueue_indirect_dma source(%dma_start3A_929 : memref<6400000xf32, #tpu.memory_space<hbm>>) target(%dma_start3A_924 : memref<128xf32, #tpu.memory_space<vmem>>) offsets(%dma_start3A_927 : memref<128xi32, #tpu.memory_space<vmem>>) semaphore(%arg8 : memref<!tpu.dma_semaphore, #tpu.memory_space<semaphore_mem>>)
    %dma_start3A_930 = arith.constant 3 : i32
    %dma_start3A_931 = arith.constant 3 : i32
    %dma_start3A_932 = arith.constant 0 : i32
    %dma_start3A_933 = tpu.memref_slice %arg7[%dma_start3A_931, %dma_start3A_932] : memref<16x128xf32, #tpu.memory_space<vmem>> -> memref<1x128xf32, #tpu.memory_space<vmem>>
    %dma_start3A_934 = tpu.memref_squeeze %dma_start3A_933 : memref<1x128xf32, #tpu.memory_space<vmem>> -> memref<128xf32, #tpu.memory_space<vmem>>
    %dma_start3A_935 = arith.constant 0 : i32
    %dma_start3A_936 = tpu.memref_slice %arg6[%dma_start3A_930, %dma_start3A_935] : memref<16x128xi32, #tpu.memory_space<vmem>> -> memref<1x128xi32, #tpu.memory_space<vmem>>
    %dma_start3A_937 = tpu.memref_squeeze %dma_start3A_936 : memref<1x128xi32, #tpu.memory_space<vmem>> -> memref<128xi32, #tpu.memory_space<vmem>>
    %dma_start3A_938 = arith.constant 0 : i32
    %dma_start3A_939 = tpu.memref_slice %arg2[%dma_start3A_938] : memref<6400000xf32, #tpu.memory_space<hbm>> -> memref<6400000xf32, #tpu.memory_space<hbm>>
    tpu.enqueue_indirect_dma source(%dma_start3A_939 : memref<6400000xf32, #tpu.memory_space<hbm>>) target(%dma_start3A_934 : memref<128xf32, #tpu.memory_space<vmem>>) offsets(%dma_start3A_937 : memref<128xi32, #tpu.memory_space<vmem>>) semaphore(%arg8 : memref<!tpu.dma_semaphore, #tpu.memory_space<semaphore_mem>>)
    %dma_start3A_940 = arith.constant 4 : i32
    %dma_start3A_941 = arith.constant 4 : i32
    %dma_start3A_942 = arith.constant 0 : i32
    %dma_start3A_943 = tpu.memref_slice %arg7[%dma_start3A_941, %dma_start3A_942] : memref<16x128xf32, #tpu.memory_space<vmem>> -> memref<1x128xf32, #tpu.memory_space<vmem>>
    %dma_start3A_944 = tpu.memref_squeeze %dma_start3A_943 : memref<1x128xf32, #tpu.memory_space<vmem>> -> memref<128xf32, #tpu.memory_space<vmem>>
    %dma_start3A_945 = arith.constant 0 : i32
    %dma_start3A_946 = tpu.memref_slice %arg6[%dma_start3A_940, %dma_start3A_945] : memref<16x128xi32, #tpu.memory_space<vmem>> -> memref<1x128xi32, #tpu.memory_space<vmem>>
    %dma_start3A_947 = tpu.memref_squeeze %dma_start3A_946 : memref<1x128xi32, #tpu.memory_space<vmem>> -> memref<128xi32, #tpu.memory_space<vmem>>
    %dma_start3A_948 = arith.constant 0 : i32
    %dma_start3A_949 = tpu.memref_slice %arg2[%dma_start3A_948] : memref<6400000xf32, #tpu.memory_space<hbm>> -> memref<6400000xf32, #tpu.memory_space<hbm>>
    tpu.enqueue_indirect_dma source(%dma_start3A_949 : memref<6400000xf32, #tpu.memory_space<hbm>>) target(%dma_start3A_944 : memref<128xf32, #tpu.memory_space<vmem>>) offsets(%dma_start3A_947 : memref<128xi32, #tpu.memory_space<vmem>>) semaphore(%arg8 : memref<!tpu.dma_semaphore, #tpu.memory_space<semaphore_mem>>)
    %dma_start3A_950 = arith.constant 5 : i32
    %dma_start3A_951 = arith.constant 5 : i32
    %dma_start3A_952 = arith.constant 0 : i32
    %dma_start3A_953 = tpu.memref_slice %arg7[%dma_start3A_951, %dma_start3A_952] : memref<16x128xf32, #tpu.memory_space<vmem>> -> memref<1x128xf32, #tpu.memory_space<vmem>>
    %dma_start3A_954 = tpu.memref_squeeze %dma_start3A_953 : memref<1x128xf32, #tpu.memory_space<vmem>> -> memref<128xf32, #tpu.memory_space<vmem>>
    %dma_start3A_955 = arith.constant 0 : i32
    %dma_start3A_956 = tpu.memref_slice %arg6[%dma_start3A_950, %dma_start3A_955] : memref<16x128xi32, #tpu.memory_space<vmem>> -> memref<1x128xi32, #tpu.memory_space<vmem>>
    %dma_start3A_957 = tpu.memref_squeeze %dma_start3A_956 : memref<1x128xi32, #tpu.memory_space<vmem>> -> memref<128xi32, #tpu.memory_space<vmem>>
    %dma_start3A_958 = arith.constant 0 : i32
    %dma_start3A_959 = tpu.memref_slice %arg2[%dma_start3A_958] : memref<6400000xf32, #tpu.memory_space<hbm>> -> memref<6400000xf32, #tpu.memory_space<hbm>>
    tpu.enqueue_indirect_dma source(%dma_start3A_959 : memref<6400000xf32, #tpu.memory_space<hbm>>) target(%dma_start3A_954 : memref<128xf32, #tpu.memory_space<vmem>>) offsets(%dma_start3A_957 : memref<128xi32, #tpu.memory_space<vmem>>) semaphore(%arg8 : memref<!tpu.dma_semaphore, #tpu.memory_space<semaphore_mem>>)
    %dma_start3A_960 = arith.constant 6 : i32
    %dma_start3A_961 = arith.constant 6 : i32
    %dma_start3A_962 = arith.constant 0 : i32
    %dma_start3A_963 = tpu.memref_slice %arg7[%dma_start3A_961, %dma_start3A_962] : memref<16x128xf32, #tpu.memory_space<vmem>> -> memref<1x128xf32, #tpu.memory_space<vmem>>
    %dma_start3A_964 = tpu.memref_squeeze %dma_start3A_963 : memref<1x128xf32, #tpu.memory_space<vmem>> -> memref<128xf32, #tpu.memory_space<vmem>>
    %dma_start3A_965 = arith.constant 0 : i32
    %dma_start3A_966 = tpu.memref_slice %arg6[%dma_start3A_960, %dma_start3A_965] : memref<16x128xi32, #tpu.memory_space<vmem>> -> memref<1x128xi32, #tpu.memory_space<vmem>>
    %dma_start3A_967 = tpu.memref_squeeze %dma_start3A_966 : memref<1x128xi32, #tpu.memory_space<vmem>> -> memref<128xi32, #tpu.memory_space<vmem>>
    %dma_start3A_968 = arith.constant 0 : i32
    %dma_start3A_969 = tpu.memref_slice %arg2[%dma_start3A_968] : memref<6400000xf32, #tpu.memory_space<hbm>> -> memref<6400000xf32, #tpu.memory_space<hbm>>
    tpu.enqueue_indirect_dma source(%dma_start3A_969 : memref<6400000xf32, #tpu.memory_space<hbm>>) target(%dma_start3A_964 : memref<128xf32, #tpu.memory_space<vmem>>) offsets(%dma_start3A_967 : memref<128xi32, #tpu.memory_space<vmem>>) semaphore(%arg8 : memref<!tpu.dma_semaphore, #tpu.memory_space<semaphore_mem>>)
    %dma_start3A_970 = arith.constant 7 : i32
    %dma_start3A_971 = arith.constant 7 : i32
    %dma_start3A_972 = arith.constant 0 : i32
    %dma_start3A_973 = tpu.memref_slice %arg7[%dma_start3A_971, %dma_start3A_972] : memref<16x128xf32, #tpu.memory_space<vmem>> -> memref<1x128xf32, #tpu.memory_space<vmem>>
    %dma_start3A_974 = tpu.memref_squeeze %dma_start3A_973 : memref<1x128xf32, #tpu.memory_space<vmem>> -> memref<128xf32, #tpu.memory_space<vmem>>
    %dma_start3A_975 = arith.constant 0 : i32
    %dma_start3A_976 = tpu.memref_slice %arg6[%dma_start3A_970, %dma_start3A_975] : memref<16x128xi32, #tpu.memory_space<vmem>> -> memref<1x128xi32, #tpu.memory_space<vmem>>
    %dma_start3A_977 = tpu.memref_squeeze %dma_start3A_976 : memref<1x128xi32, #tpu.memory_space<vmem>> -> memref<128xi32, #tpu.memory_space<vmem>>
    %dma_start3A_978 = arith.constant 0 : i32
    %dma_start3A_979 = tpu.memref_slice %arg2[%dma_start3A_978] : memref<6400000xf32, #tpu.memory_space<hbm>> -> memref<6400000xf32, #tpu.memory_space<hbm>>
    tpu.enqueue_indirect_dma source(%dma_start3A_979 : memref<6400000xf32, #tpu.memory_space<hbm>>) target(%dma_start3A_974 : memref<128xf32, #tpu.memory_space<vmem>>) offsets(%dma_start3A_977 : memref<128xi32, #tpu.memory_space<vmem>>) semaphore(%arg8 : memref<!tpu.dma_semaphore, #tpu.memory_space<semaphore_mem>>)
    %dma_start3A_980 = arith.constant 8 : i32
    %dma_start3A_981 = arith.constant 8 : i32
    %dma_start3A_982 = arith.constant 0 : i32
    %dma_start3A_983 = tpu.memref_slice %arg7[%dma_start3A_981, %dma_start3A_982] : memref<16x128xf32, #tpu.memory_space<vmem>> -> memref<1x128xf32, #tpu.memory_space<vmem>>
    %dma_start3A_984 = tpu.memref_squeeze %dma_start3A_983 : memref<1x128xf32, #tpu.memory_space<vmem>> -> memref<128xf32, #tpu.memory_space<vmem>>
    %dma_start3A_985 = arith.constant 0 : i32
    %dma_start3A_986 = tpu.memref_slice %arg6[%dma_start3A_980, %dma_start3A_985] : memref<16x128xi32, #tpu.memory_space<vmem>> -> memref<1x128xi32, #tpu.memory_space<vmem>>
    %dma_start3A_987 = tpu.memref_squeeze %dma_start3A_986 : memref<1x128xi32, #tpu.memory_space<vmem>> -> memref<128xi32, #tpu.memory_space<vmem>>
    %dma_start3A_988 = arith.constant 0 : i32
    %dma_start3A_989 = tpu.memref_slice %arg2[%dma_start3A_988] : memref<6400000xf32, #tpu.memory_space<hbm>> -> memref<6400000xf32, #tpu.memory_space<hbm>>
    tpu.enqueue_indirect_dma source(%dma_start3A_989 : memref<6400000xf32, #tpu.memory_space<hbm>>) target(%dma_start3A_984 : memref<128xf32, #tpu.memory_space<vmem>>) offsets(%dma_start3A_987 : memref<128xi32, #tpu.memory_space<vmem>>) semaphore(%arg8 : memref<!tpu.dma_semaphore, #tpu.memory_space<semaphore_mem>>)
    %dma_start3A_990 = arith.constant 9 : i32
    %dma_start3A_991 = arith.constant 9 : i32
    %dma_start3A_992 = arith.constant 0 : i32
    %dma_start3A_993 = tpu.memref_slice %arg7[%dma_start3A_991, %dma_start3A_992] : memref<16x128xf32, #tpu.memory_space<vmem>> -> memref<1x128xf32, #tpu.memory_space<vmem>>
    %dma_start3A_994 = tpu.memref_squeeze %dma_start3A_993 : memref<1x128xf32, #tpu.memory_space<vmem>> -> memref<128xf32, #tpu.memory_space<vmem>>
    %dma_start3A_995 = arith.constant 0 : i32
    %dma_start3A_996 = tpu.memref_slice %arg6[%dma_start3A_990, %dma_start3A_995] : memref<16x128xi32, #tpu.memory_space<vmem>> -> memref<1x128xi32, #tpu.memory_space<vmem>>
    %dma_start3A_997 = tpu.memref_squeeze %dma_start3A_996 : memref<1x128xi32, #tpu.memory_space<vmem>> -> memref<128xi32, #tpu.memory_space<vmem>>
    %dma_start3A_998 = arith.constant 0 : i32
    %dma_start3A_999 = tpu.memref_slice %arg2[%dma_start3A_998] : memref<6400000xf32, #tpu.memory_space<hbm>> -> memref<6400000xf32, #tpu.memory_space<hbm>>
    tpu.enqueue_indirect_dma source(%dma_start3A_999 : memref<6400000xf32, #tpu.memory_space<hbm>>) target(%dma_start3A_994 : memref<128xf32, #tpu.memory_space<vmem>>) offsets(%dma_start3A_997 : memref<128xi32, #tpu.memory_space<vmem>>) semaphore(%arg8 : memref<!tpu.dma_semaphore, #tpu.memory_space<semaphore_mem>>)
    %dma_start3A_1000 = arith.constant 10 : i32
    %dma_start3A_1001 = arith.constant 10 : i32
    %dma_start3A_1002 = arith.constant 0 : i32
    %dma_start3A_1003 = tpu.memref_slice %arg7[%dma_start3A_1001, %dma_start3A_1002] : memref<16x128xf32, #tpu.memory_space<vmem>> -> memref<1x128xf32, #tpu.memory_space<vmem>>
    %dma_start3A_1004 = tpu.memref_squeeze %dma_start3A_1003 : memref<1x128xf32, #tpu.memory_space<vmem>> -> memref<128xf32, #tpu.memory_space<vmem>>
    %dma_start3A_1005 = arith.constant 0 : i32
    %dma_start3A_1006 = tpu.memref_slice %arg6[%dma_start3A_1000, %dma_start3A_1005] : memref<16x128xi32, #tpu.memory_space<vmem>> -> memref<1x128xi32, #tpu.memory_space<vmem>>
    %dma_start3A_1007 = tpu.memref_squeeze %dma_start3A_1006 : memref<1x128xi32, #tpu.memory_space<vmem>> -> memref<128xi32, #tpu.memory_space<vmem>>
    %dma_start3A_1008 = arith.constant 0 : i32
    %dma_start3A_1009 = tpu.memref_slice %arg2[%dma_start3A_1008] : memref<6400000xf32, #tpu.memory_space<hbm>> -> memref<6400000xf32, #tpu.memory_space<hbm>>
    tpu.enqueue_indirect_dma source(%dma_start3A_1009 : memref<6400000xf32, #tpu.memory_space<hbm>>) target(%dma_start3A_1004 : memref<128xf32, #tpu.memory_space<vmem>>) offsets(%dma_start3A_1007 : memref<128xi32, #tpu.memory_space<vmem>>) semaphore(%arg8 : memref<!tpu.dma_semaphore, #tpu.memory_space<semaphore_mem>>)
    %dma_start3A_1010 = arith.constant 11 : i32
    %dma_start3A_1011 = arith.constant 11 : i32
    %dma_start3A_1012 = arith.constant 0 : i32
    %dma_start3A_1013 = tpu.memref_slice %arg7[%dma_start3A_1011, %dma_start3A_1012] : memref<16x128xf32, #tpu.memory_space<vmem>> -> memref<1x128xf32, #tpu.memory_space<vmem>>
    %dma_start3A_1014 = tpu.memref_squeeze %dma_start3A_1013 : memref<1x128xf32, #tpu.memory_space<vmem>> -> memref<128xf32, #tpu.memory_space<vmem>>
    %dma_start3A_1015 = arith.constant 0 : i32
    %dma_start3A_1016 = tpu.memref_slice %arg6[%dma_start3A_1010, %dma_start3A_1015] : memref<16x128xi32, #tpu.memory_space<vmem>> -> memref<1x128xi32, #tpu.memory_space<vmem>>
    %dma_start3A_1017 = tpu.memref_squeeze %dma_start3A_1016 : memref<1x128xi32, #tpu.memory_space<vmem>> -> memref<128xi32, #tpu.memory_space<vmem>>
    %dma_start3A_1018 = arith.constant 0 : i32
    %dma_start3A_1019 = tpu.memref_slice %arg2[%dma_start3A_1018] : memref<6400000xf32, #tpu.memory_space<hbm>> -> memref<6400000xf32, #tpu.memory_space<hbm>>
    tpu.enqueue_indirect_dma source(%dma_start3A_1019 : memref<6400000xf32, #tpu.memory_space<hbm>>) target(%dma_start3A_1014 : memref<128xf32, #tpu.memory_space<vmem>>) offsets(%dma_start3A_1017 : memref<128xi32, #tpu.memory_space<vmem>>) semaphore(%arg8 : memref<!tpu.dma_semaphore, #tpu.memory_space<semaphore_mem>>)
    %dma_start3A_1020 = arith.constant 12 : i32
    %dma_start3A_1021 = arith.constant 12 : i32
    %dma_start3A_1022 = arith.constant 0 : i32
    %dma_start3A_1023 = tpu.memref_slice %arg7[%dma_start3A_1021, %dma_start3A_1022] : memref<16x128xf32, #tpu.memory_space<vmem>> -> memref<1x128xf32, #tpu.memory_space<vmem>>
    %dma_start3A_1024 = tpu.memref_squeeze %dma_start3A_1023 : memref<1x128xf32, #tpu.memory_space<vmem>> -> memref<128xf32, #tpu.memory_space<vmem>>
    %dma_start3A_1025 = arith.constant 0 : i32
    %dma_start3A_1026 = tpu.memref_slice %arg6[%dma_start3A_1020, %dma_start3A_1025] : memref<16x128xi32, #tpu.memory_space<vmem>> -> memref<1x128xi32, #tpu.memory_space<vmem>>
    %dma_start3A_1027 = tpu.memref_squeeze %dma_start3A_1026 : memref<1x128xi32, #tpu.memory_space<vmem>> -> memref<128xi32, #tpu.memory_space<vmem>>
    %dma_start3A_1028 = arith.constant 0 : i32
    %dma_start3A_1029 = tpu.memref_slice %arg2[%dma_start3A_1028] : memref<6400000xf32, #tpu.memory_space<hbm>> -> memref<6400000xf32, #tpu.memory_space<hbm>>
    tpu.enqueue_indirect_dma source(%dma_start3A_1029 : memref<6400000xf32, #tpu.memory_space<hbm>>) target(%dma_start3A_1024 : memref<128xf32, #tpu.memory_space<vmem>>) offsets(%dma_start3A_1027 : memref<128xi32, #tpu.memory_space<vmem>>) semaphore(%arg8 : memref<!tpu.dma_semaphore, #tpu.memory_space<semaphore_mem>>)
    %dma_start3A_1030 = arith.constant 13 : i32
    %dma_start3A_1031 = arith.constant 13 : i32
    %dma_start3A_1032 = arith.constant 0 : i32
    %dma_start3A_1033 = tpu.memref_slice %arg7[%dma_start3A_1031, %dma_start3A_1032] : memref<16x128xf32, #tpu.memory_space<vmem>> -> memref<1x128xf32, #tpu.memory_space<vmem>>
    %dma_start3A_1034 = tpu.memref_squeeze %dma_start3A_1033 : memref<1x128xf32, #tpu.memory_space<vmem>> -> memref<128xf32, #tpu.memory_space<vmem>>
    %dma_start3A_1035 = arith.constant 0 : i32
    %dma_start3A_1036 = tpu.memref_slice %arg6[%dma_start3A_1030, %dma_start3A_1035] : memref<16x128xi32, #tpu.memory_space<vmem>> -> memref<1x128xi32, #tpu.memory_space<vmem>>
    %dma_start3A_1037 = tpu.memref_squeeze %dma_start3A_1036 : memref<1x128xi32, #tpu.memory_space<vmem>> -> memref<128xi32, #tpu.memory_space<vmem>>
    %dma_start3A_1038 = arith.constant 0 : i32
    %dma_start3A_1039 = tpu.memref_slice %arg2[%dma_start3A_1038] : memref<6400000xf32, #tpu.memory_space<hbm>> -> memref<6400000xf32, #tpu.memory_space<hbm>>
    tpu.enqueue_indirect_dma source(%dma_start3A_1039 : memref<6400000xf32, #tpu.memory_space<hbm>>) target(%dma_start3A_1034 : memref<128xf32, #tpu.memory_space<vmem>>) offsets(%dma_start3A_1037 : memref<128xi32, #tpu.memory_space<vmem>>) semaphore(%arg8 : memref<!tpu.dma_semaphore, #tpu.memory_space<semaphore_mem>>)
    %dma_start3A_1040 = arith.constant 14 : i32
    %dma_start3A_1041 = arith.constant 14 : i32
    %dma_start3A_1042 = arith.constant 0 : i32
    %dma_start3A_1043 = tpu.memref_slice %arg7[%dma_start3A_1041, %dma_start3A_1042] : memref<16x128xf32, #tpu.memory_space<vmem>> -> memref<1x128xf32, #tpu.memory_space<vmem>>
    %dma_start3A_1044 = tpu.memref_squeeze %dma_start3A_1043 : memref<1x128xf32, #tpu.memory_space<vmem>> -> memref<128xf32, #tpu.memory_space<vmem>>
    %dma_start3A_1045 = arith.constant 0 : i32
    %dma_start3A_1046 = tpu.memref_slice %arg6[%dma_start3A_1040, %dma_start3A_1045] : memref<16x128xi32, #tpu.memory_space<vmem>> -> memref<1x128xi32, #tpu.memory_space<vmem>>
    %dma_start3A_1047 = tpu.memref_squeeze %dma_start3A_1046 : memref<1x128xi32, #tpu.memory_space<vmem>> -> memref<128xi32, #tpu.memory_space<vmem>>
    %dma_start3A_1048 = arith.constant 0 : i32
    %dma_start3A_1049 = tpu.memref_slice %arg2[%dma_start3A_1048] : memref<6400000xf32, #tpu.memory_space<hbm>> -> memref<6400000xf32, #tpu.memory_space<hbm>>
    tpu.enqueue_indirect_dma source(%dma_start3A_1049 : memref<6400000xf32, #tpu.memory_space<hbm>>) target(%dma_start3A_1044 : memref<128xf32, #tpu.memory_space<vmem>>) offsets(%dma_start3A_1047 : memref<128xi32, #tpu.memory_space<vmem>>) semaphore(%arg8 : memref<!tpu.dma_semaphore, #tpu.memory_space<semaphore_mem>>)
    %dma_start3A_1050 = arith.constant 15 : i32
    %dma_start3A_1051 = arith.constant 15 : i32
    %dma_start3A_1052 = arith.constant 0 : i32
    %dma_start3A_1053 = tpu.memref_slice %arg7[%dma_start3A_1051, %dma_start3A_1052] : memref<16x128xf32, #tpu.memory_space<vmem>> -> memref<1x128xf32, #tpu.memory_space<vmem>>
    %dma_start3A_1054 = tpu.memref_squeeze %dma_start3A_1053 : memref<1x128xf32, #tpu.memory_space<vmem>> -> memref<128xf32, #tpu.memory_space<vmem>>
    %dma_start3A_1055 = arith.constant 0 : i32
    %dma_start3A_1056 = tpu.memref_slice %arg6[%dma_start3A_1050, %dma_start3A_1055] : memref<16x128xi32, #tpu.memory_space<vmem>> -> memref<1x128xi32, #tpu.memory_space<vmem>>
    %dma_start3A_1057 = tpu.memref_squeeze %dma_start3A_1056 : memref<1x128xi32, #tpu.memory_space<vmem>> -> memref<128xi32, #tpu.memory_space<vmem>>
    %dma_start3A_1058 = arith.constant 0 : i32
    %dma_start3A_1059 = tpu.memref_slice %arg2[%dma_start3A_1058] : memref<6400000xf32, #tpu.memory_space<hbm>> -> memref<6400000xf32, #tpu.memory_space<hbm>>
    tpu.enqueue_indirect_dma source(%dma_start3A_1059 : memref<6400000xf32, #tpu.memory_space<hbm>>) target(%dma_start3A_1054 : memref<128xf32, #tpu.memory_space<vmem>>) offsets(%dma_start3A_1057 : memref<128xi32, #tpu.memory_space<vmem>>) semaphore(%arg8 : memref<!tpu.dma_semaphore, #tpu.memory_space<semaphore_mem>>)
    %dma_wait3A = arith.constant 0 : i32
    %dma_wait3A_1060 = arith.constant 0 : i32
    %dma_wait3A_1061 = arith.constant 0 : i32
    %dma_wait3A_1062 = tpu.memref_slice %arg7[%dma_wait3A_1060, %dma_wait3A_1061] : memref<16x128xf32, #tpu.memory_space<vmem>> -> memref<1x128xf32, #tpu.memory_space<vmem>>
    %dma_wait3A_1063 = tpu.memref_squeeze %dma_wait3A_1062 : memref<1x128xf32, #tpu.memory_space<vmem>> -> memref<128xf32, #tpu.memory_space<vmem>>
    %dma_wait3A_1064 = arith.constant 0 : i32
    %dma_wait3A_1065 = tpu.memref_slice %arg6[%dma_wait3A, %dma_wait3A_1064] : memref<16x128xi32, #tpu.memory_space<vmem>> -> memref<1x128xi32, #tpu.memory_space<vmem>>
    %dma_wait3A_1066 = tpu.memref_squeeze %dma_wait3A_1065 : memref<1x128xi32, #tpu.memory_space<vmem>> -> memref<128xi32, #tpu.memory_space<vmem>>
    %dma_wait3A_1067 = arith.constant 0 : i32
    %dma_wait3A_1068 = tpu.memref_slice %arg2[%dma_wait3A_1067] : memref<6400000xf32, #tpu.memory_space<hbm>> -> memref<6400000xf32, #tpu.memory_space<hbm>>
    tpu.wait_indirect_dma semaphore(%arg8 : memref<!tpu.dma_semaphore, #tpu.memory_space<semaphore_mem>>) src(%dma_wait3A_1068 : memref<6400000xf32, #tpu.memory_space<hbm>>) dst(%dma_wait3A_1063 : memref<128xf32, #tpu.memory_space<vmem>>)
    %dma_wait3A_1069 = arith.constant 1 : i32
    %dma_wait3A_1070 = arith.constant 1 : i32
    %dma_wait3A_1071 = arith.constant 0 : i32
    %dma_wait3A_1072 = tpu.memref_slice %arg7[%dma_wait3A_1070, %dma_wait3A_1071] : memref<16x128xf32, #tpu.memory_space<vmem>> -> memref<1x128xf32, #tpu.memory_space<vmem>>
    %dma_wait3A_1073 = tpu.memref_squeeze %dma_wait3A_1072 : memref<1x128xf32, #tpu.memory_space<vmem>> -> memref<128xf32, #tpu.memory_space<vmem>>
    %dma_wait3A_1074 = arith.constant 0 : i32
    %dma_wait3A_1075 = tpu.memref_slice %arg6[%dma_wait3A_1069, %dma_wait3A_1074] : memref<16x128xi32, #tpu.memory_space<vmem>> -> memref<1x128xi32, #tpu.memory_space<vmem>>
    %dma_wait3A_1076 = tpu.memref_squeeze %dma_wait3A_1075 : memref<1x128xi32, #tpu.memory_space<vmem>> -> memref<128xi32, #tpu.memory_space<vmem>>
    %dma_wait3A_1077 = arith.constant 0 : i32
    %dma_wait3A_1078 = tpu.memref_slice %arg2[%dma_wait3A_1077] : memref<6400000xf32, #tpu.memory_space<hbm>> -> memref<6400000xf32, #tpu.memory_space<hbm>>
    tpu.wait_indirect_dma semaphore(%arg8 : memref<!tpu.dma_semaphore, #tpu.memory_space<semaphore_mem>>) src(%dma_wait3A_1078 : memref<6400000xf32, #tpu.memory_space<hbm>>) dst(%dma_wait3A_1073 : memref<128xf32, #tpu.memory_space<vmem>>)
    %dma_wait3A_1079 = arith.constant 2 : i32
    %dma_wait3A_1080 = arith.constant 2 : i32
    %dma_wait3A_1081 = arith.constant 0 : i32
    %dma_wait3A_1082 = tpu.memref_slice %arg7[%dma_wait3A_1080, %dma_wait3A_1081] : memref<16x128xf32, #tpu.memory_space<vmem>> -> memref<1x128xf32, #tpu.memory_space<vmem>>
    %dma_wait3A_1083 = tpu.memref_squeeze %dma_wait3A_1082 : memref<1x128xf32, #tpu.memory_space<vmem>> -> memref<128xf32, #tpu.memory_space<vmem>>
    %dma_wait3A_1084 = arith.constant 0 : i32
    %dma_wait3A_1085 = tpu.memref_slice %arg6[%dma_wait3A_1079, %dma_wait3A_1084] : memref<16x128xi32, #tpu.memory_space<vmem>> -> memref<1x128xi32, #tpu.memory_space<vmem>>
    %dma_wait3A_1086 = tpu.memref_squeeze %dma_wait3A_1085 : memref<1x128xi32, #tpu.memory_space<vmem>> -> memref<128xi32, #tpu.memory_space<vmem>>
    %dma_wait3A_1087 = arith.constant 0 : i32
    %dma_wait3A_1088 = tpu.memref_slice %arg2[%dma_wait3A_1087] : memref<6400000xf32, #tpu.memory_space<hbm>> -> memref<6400000xf32, #tpu.memory_space<hbm>>
    tpu.wait_indirect_dma semaphore(%arg8 : memref<!tpu.dma_semaphore, #tpu.memory_space<semaphore_mem>>) src(%dma_wait3A_1088 : memref<6400000xf32, #tpu.memory_space<hbm>>) dst(%dma_wait3A_1083 : memref<128xf32, #tpu.memory_space<vmem>>)
    %dma_wait3A_1089 = arith.constant 3 : i32
    %dma_wait3A_1090 = arith.constant 3 : i32
    %dma_wait3A_1091 = arith.constant 0 : i32
    %dma_wait3A_1092 = tpu.memref_slice %arg7[%dma_wait3A_1090, %dma_wait3A_1091] : memref<16x128xf32, #tpu.memory_space<vmem>> -> memref<1x128xf32, #tpu.memory_space<vmem>>
    %dma_wait3A_1093 = tpu.memref_squeeze %dma_wait3A_1092 : memref<1x128xf32, #tpu.memory_space<vmem>> -> memref<128xf32, #tpu.memory_space<vmem>>
    %dma_wait3A_1094 = arith.constant 0 : i32
    %dma_wait3A_1095 = tpu.memref_slice %arg6[%dma_wait3A_1089, %dma_wait3A_1094] : memref<16x128xi32, #tpu.memory_space<vmem>> -> memref<1x128xi32, #tpu.memory_space<vmem>>
    %dma_wait3A_1096 = tpu.memref_squeeze %dma_wait3A_1095 : memref<1x128xi32, #tpu.memory_space<vmem>> -> memref<128xi32, #tpu.memory_space<vmem>>
    %dma_wait3A_1097 = arith.constant 0 : i32
    %dma_wait3A_1098 = tpu.memref_slice %arg2[%dma_wait3A_1097] : memref<6400000xf32, #tpu.memory_space<hbm>> -> memref<6400000xf32, #tpu.memory_space<hbm>>
    tpu.wait_indirect_dma semaphore(%arg8 : memref<!tpu.dma_semaphore, #tpu.memory_space<semaphore_mem>>) src(%dma_wait3A_1098 : memref<6400000xf32, #tpu.memory_space<hbm>>) dst(%dma_wait3A_1093 : memref<128xf32, #tpu.memory_space<vmem>>)
    %dma_wait3A_1099 = arith.constant 4 : i32
    %dma_wait3A_1100 = arith.constant 4 : i32
    %dma_wait3A_1101 = arith.constant 0 : i32
    %dma_wait3A_1102 = tpu.memref_slice %arg7[%dma_wait3A_1100, %dma_wait3A_1101] : memref<16x128xf32, #tpu.memory_space<vmem>> -> memref<1x128xf32, #tpu.memory_space<vmem>>
    %dma_wait3A_1103 = tpu.memref_squeeze %dma_wait3A_1102 : memref<1x128xf32, #tpu.memory_space<vmem>> -> memref<128xf32, #tpu.memory_space<vmem>>
    %dma_wait3A_1104 = arith.constant 0 : i32
    %dma_wait3A_1105 = tpu.memref_slice %arg6[%dma_wait3A_1099, %dma_wait3A_1104] : memref<16x128xi32, #tpu.memory_space<vmem>> -> memref<1x128xi32, #tpu.memory_space<vmem>>
    %dma_wait3A_1106 = tpu.memref_squeeze %dma_wait3A_1105 : memref<1x128xi32, #tpu.memory_space<vmem>> -> memref<128xi32, #tpu.memory_space<vmem>>
    %dma_wait3A_1107 = arith.constant 0 : i32
    %dma_wait3A_1108 = tpu.memref_slice %arg2[%dma_wait3A_1107] : memref<6400000xf32, #tpu.memory_space<hbm>> -> memref<6400000xf32, #tpu.memory_space<hbm>>
    tpu.wait_indirect_dma semaphore(%arg8 : memref<!tpu.dma_semaphore, #tpu.memory_space<semaphore_mem>>) src(%dma_wait3A_1108 : memref<6400000xf32, #tpu.memory_space<hbm>>) dst(%dma_wait3A_1103 : memref<128xf32, #tpu.memory_space<vmem>>)
    %dma_wait3A_1109 = arith.constant 5 : i32
    %dma_wait3A_1110 = arith.constant 5 : i32
    %dma_wait3A_1111 = arith.constant 0 : i32
    %dma_wait3A_1112 = tpu.memref_slice %arg7[%dma_wait3A_1110, %dma_wait3A_1111] : memref<16x128xf32, #tpu.memory_space<vmem>> -> memref<1x128xf32, #tpu.memory_space<vmem>>
    %dma_wait3A_1113 = tpu.memref_squeeze %dma_wait3A_1112 : memref<1x128xf32, #tpu.memory_space<vmem>> -> memref<128xf32, #tpu.memory_space<vmem>>
    %dma_wait3A_1114 = arith.constant 0 : i32
    %dma_wait3A_1115 = tpu.memref_slice %arg6[%dma_wait3A_1109, %dma_wait3A_1114] : memref<16x128xi32, #tpu.memory_space<vmem>> -> memref<1x128xi32, #tpu.memory_space<vmem>>
    %dma_wait3A_1116 = tpu.memref_squeeze %dma_wait3A_1115 : memref<1x128xi32, #tpu.memory_space<vmem>> -> memref<128xi32, #tpu.memory_space<vmem>>
    %dma_wait3A_1117 = arith.constant 0 : i32
    %dma_wait3A_1118 = tpu.memref_slice %arg2[%dma_wait3A_1117] : memref<6400000xf32, #tpu.memory_space<hbm>> -> memref<6400000xf32, #tpu.memory_space<hbm>>
    tpu.wait_indirect_dma semaphore(%arg8 : memref<!tpu.dma_semaphore, #tpu.memory_space<semaphore_mem>>) src(%dma_wait3A_1118 : memref<6400000xf32, #tpu.memory_space<hbm>>) dst(%dma_wait3A_1113 : memref<128xf32, #tpu.memory_space<vmem>>)
    %dma_wait3A_1119 = arith.constant 6 : i32
    %dma_wait3A_1120 = arith.constant 6 : i32
    %dma_wait3A_1121 = arith.constant 0 : i32
    %dma_wait3A_1122 = tpu.memref_slice %arg7[%dma_wait3A_1120, %dma_wait3A_1121] : memref<16x128xf32, #tpu.memory_space<vmem>> -> memref<1x128xf32, #tpu.memory_space<vmem>>
    %dma_wait3A_1123 = tpu.memref_squeeze %dma_wait3A_1122 : memref<1x128xf32, #tpu.memory_space<vmem>> -> memref<128xf32, #tpu.memory_space<vmem>>
    %dma_wait3A_1124 = arith.constant 0 : i32
    %dma_wait3A_1125 = tpu.memref_slice %arg6[%dma_wait3A_1119, %dma_wait3A_1124] : memref<16x128xi32, #tpu.memory_space<vmem>> -> memref<1x128xi32, #tpu.memory_space<vmem>>
    %dma_wait3A_1126 = tpu.memref_squeeze %dma_wait3A_1125 : memref<1x128xi32, #tpu.memory_space<vmem>> -> memref<128xi32, #tpu.memory_space<vmem>>
    %dma_wait3A_1127 = arith.constant 0 : i32
    %dma_wait3A_1128 = tpu.memref_slice %arg2[%dma_wait3A_1127] : memref<6400000xf32, #tpu.memory_space<hbm>> -> memref<6400000xf32, #tpu.memory_space<hbm>>
    tpu.wait_indirect_dma semaphore(%arg8 : memref<!tpu.dma_semaphore, #tpu.memory_space<semaphore_mem>>) src(%dma_wait3A_1128 : memref<6400000xf32, #tpu.memory_space<hbm>>) dst(%dma_wait3A_1123 : memref<128xf32, #tpu.memory_space<vmem>>)
    %dma_wait3A_1129 = arith.constant 7 : i32
    %dma_wait3A_1130 = arith.constant 7 : i32
    %dma_wait3A_1131 = arith.constant 0 : i32
    %dma_wait3A_1132 = tpu.memref_slice %arg7[%dma_wait3A_1130, %dma_wait3A_1131] : memref<16x128xf32, #tpu.memory_space<vmem>> -> memref<1x128xf32, #tpu.memory_space<vmem>>
    %dma_wait3A_1133 = tpu.memref_squeeze %dma_wait3A_1132 : memref<1x128xf32, #tpu.memory_space<vmem>> -> memref<128xf32, #tpu.memory_space<vmem>>
    %dma_wait3A_1134 = arith.constant 0 : i32
    %dma_wait3A_1135 = tpu.memref_slice %arg6[%dma_wait3A_1129, %dma_wait3A_1134] : memref<16x128xi32, #tpu.memory_space<vmem>> -> memref<1x128xi32, #tpu.memory_space<vmem>>
    %dma_wait3A_1136 = tpu.memref_squeeze %dma_wait3A_1135 : memref<1x128xi32, #tpu.memory_space<vmem>> -> memref<128xi32, #tpu.memory_space<vmem>>
    %dma_wait3A_1137 = arith.constant 0 : i32
    %dma_wait3A_1138 = tpu.memref_slice %arg2[%dma_wait3A_1137] : memref<6400000xf32, #tpu.memory_space<hbm>> -> memref<6400000xf32, #tpu.memory_space<hbm>>
    tpu.wait_indirect_dma semaphore(%arg8 : memref<!tpu.dma_semaphore, #tpu.memory_space<semaphore_mem>>) src(%dma_wait3A_1138 : memref<6400000xf32, #tpu.memory_space<hbm>>) dst(%dma_wait3A_1133 : memref<128xf32, #tpu.memory_space<vmem>>)
    %dma_wait3A_1139 = arith.constant 8 : i32
    %dma_wait3A_1140 = arith.constant 8 : i32
    %dma_wait3A_1141 = arith.constant 0 : i32
    %dma_wait3A_1142 = tpu.memref_slice %arg7[%dma_wait3A_1140, %dma_wait3A_1141] : memref<16x128xf32, #tpu.memory_space<vmem>> -> memref<1x128xf32, #tpu.memory_space<vmem>>
    %dma_wait3A_1143 = tpu.memref_squeeze %dma_wait3A_1142 : memref<1x128xf32, #tpu.memory_space<vmem>> -> memref<128xf32, #tpu.memory_space<vmem>>
    %dma_wait3A_1144 = arith.constant 0 : i32
    %dma_wait3A_1145 = tpu.memref_slice %arg6[%dma_wait3A_1139, %dma_wait3A_1144] : memref<16x128xi32, #tpu.memory_space<vmem>> -> memref<1x128xi32, #tpu.memory_space<vmem>>
    %dma_wait3A_1146 = tpu.memref_squeeze %dma_wait3A_1145 : memref<1x128xi32, #tpu.memory_space<vmem>> -> memref<128xi32, #tpu.memory_space<vmem>>
    %dma_wait3A_1147 = arith.constant 0 : i32
    %dma_wait3A_1148 = tpu.memref_slice %arg2[%dma_wait3A_1147] : memref<6400000xf32, #tpu.memory_space<hbm>> -> memref<6400000xf32, #tpu.memory_space<hbm>>
    tpu.wait_indirect_dma semaphore(%arg8 : memref<!tpu.dma_semaphore, #tpu.memory_space<semaphore_mem>>) src(%dma_wait3A_1148 : memref<6400000xf32, #tpu.memory_space<hbm>>) dst(%dma_wait3A_1143 : memref<128xf32, #tpu.memory_space<vmem>>)
    %dma_wait3A_1149 = arith.constant 9 : i32
    %dma_wait3A_1150 = arith.constant 9 : i32
    %dma_wait3A_1151 = arith.constant 0 : i32
    %dma_wait3A_1152 = tpu.memref_slice %arg7[%dma_wait3A_1150, %dma_wait3A_1151] : memref<16x128xf32, #tpu.memory_space<vmem>> -> memref<1x128xf32, #tpu.memory_space<vmem>>
    %dma_wait3A_1153 = tpu.memref_squeeze %dma_wait3A_1152 : memref<1x128xf32, #tpu.memory_space<vmem>> -> memref<128xf32, #tpu.memory_space<vmem>>
    %dma_wait3A_1154 = arith.constant 0 : i32
    %dma_wait3A_1155 = tpu.memref_slice %arg6[%dma_wait3A_1149, %dma_wait3A_1154] : memref<16x128xi32, #tpu.memory_space<vmem>> -> memref<1x128xi32, #tpu.memory_space<vmem>>
    %dma_wait3A_1156 = tpu.memref_squeeze %dma_wait3A_1155 : memref<1x128xi32, #tpu.memory_space<vmem>> -> memref<128xi32, #tpu.memory_space<vmem>>
    %dma_wait3A_1157 = arith.constant 0 : i32
    %dma_wait3A_1158 = tpu.memref_slice %arg2[%dma_wait3A_1157] : memref<6400000xf32, #tpu.memory_space<hbm>> -> memref<6400000xf32, #tpu.memory_space<hbm>>
    tpu.wait_indirect_dma semaphore(%arg8 : memref<!tpu.dma_semaphore, #tpu.memory_space<semaphore_mem>>) src(%dma_wait3A_1158 : memref<6400000xf32, #tpu.memory_space<hbm>>) dst(%dma_wait3A_1153 : memref<128xf32, #tpu.memory_space<vmem>>)
    %dma_wait3A_1159 = arith.constant 10 : i32
    %dma_wait3A_1160 = arith.constant 10 : i32
    %dma_wait3A_1161 = arith.constant 0 : i32
    %dma_wait3A_1162 = tpu.memref_slice %arg7[%dma_wait3A_1160, %dma_wait3A_1161] : memref<16x128xf32, #tpu.memory_space<vmem>> -> memref<1x128xf32, #tpu.memory_space<vmem>>
    %dma_wait3A_1163 = tpu.memref_squeeze %dma_wait3A_1162 : memref<1x128xf32, #tpu.memory_space<vmem>> -> memref<128xf32, #tpu.memory_space<vmem>>
    %dma_wait3A_1164 = arith.constant 0 : i32
    %dma_wait3A_1165 = tpu.memref_slice %arg6[%dma_wait3A_1159, %dma_wait3A_1164] : memref<16x128xi32, #tpu.memory_space<vmem>> -> memref<1x128xi32, #tpu.memory_space<vmem>>
    %dma_wait3A_1166 = tpu.memref_squeeze %dma_wait3A_1165 : memref<1x128xi32, #tpu.memory_space<vmem>> -> memref<128xi32, #tpu.memory_space<vmem>>
    %dma_wait3A_1167 = arith.constant 0 : i32
    %dma_wait3A_1168 = tpu.memref_slice %arg2[%dma_wait3A_1167] : memref<6400000xf32, #tpu.memory_space<hbm>> -> memref<6400000xf32, #tpu.memory_space<hbm>>
    tpu.wait_indirect_dma semaphore(%arg8 : memref<!tpu.dma_semaphore, #tpu.memory_space<semaphore_mem>>) src(%dma_wait3A_1168 : memref<6400000xf32, #tpu.memory_space<hbm>>) dst(%dma_wait3A_1163 : memref<128xf32, #tpu.memory_space<vmem>>)
    %dma_wait3A_1169 = arith.constant 11 : i32
    %dma_wait3A_1170 = arith.constant 11 : i32
    %dma_wait3A_1171 = arith.constant 0 : i32
    %dma_wait3A_1172 = tpu.memref_slice %arg7[%dma_wait3A_1170, %dma_wait3A_1171] : memref<16x128xf32, #tpu.memory_space<vmem>> -> memref<1x128xf32, #tpu.memory_space<vmem>>
    %dma_wait3A_1173 = tpu.memref_squeeze %dma_wait3A_1172 : memref<1x128xf32, #tpu.memory_space<vmem>> -> memref<128xf32, #tpu.memory_space<vmem>>
    %dma_wait3A_1174 = arith.constant 0 : i32
    %dma_wait3A_1175 = tpu.memref_slice %arg6[%dma_wait3A_1169, %dma_wait3A_1174] : memref<16x128xi32, #tpu.memory_space<vmem>> -> memref<1x128xi32, #tpu.memory_space<vmem>>
    %dma_wait3A_1176 = tpu.memref_squeeze %dma_wait3A_1175 : memref<1x128xi32, #tpu.memory_space<vmem>> -> memref<128xi32, #tpu.memory_space<vmem>>
    %dma_wait3A_1177 = arith.constant 0 : i32
    %dma_wait3A_1178 = tpu.memref_slice %arg2[%dma_wait3A_1177] : memref<6400000xf32, #tpu.memory_space<hbm>> -> memref<6400000xf32, #tpu.memory_space<hbm>>
    tpu.wait_indirect_dma semaphore(%arg8 : memref<!tpu.dma_semaphore, #tpu.memory_space<semaphore_mem>>) src(%dma_wait3A_1178 : memref<6400000xf32, #tpu.memory_space<hbm>>) dst(%dma_wait3A_1173 : memref<128xf32, #tpu.memory_space<vmem>>)
    %dma_wait3A_1179 = arith.constant 12 : i32
    %dma_wait3A_1180 = arith.constant 12 : i32
    %dma_wait3A_1181 = arith.constant 0 : i32
    %dma_wait3A_1182 = tpu.memref_slice %arg7[%dma_wait3A_1180, %dma_wait3A_1181] : memref<16x128xf32, #tpu.memory_space<vmem>> -> memref<1x128xf32, #tpu.memory_space<vmem>>
    %dma_wait3A_1183 = tpu.memref_squeeze %dma_wait3A_1182 : memref<1x128xf32, #tpu.memory_space<vmem>> -> memref<128xf32, #tpu.memory_space<vmem>>
    %dma_wait3A_1184 = arith.constant 0 : i32
    %dma_wait3A_1185 = tpu.memref_slice %arg6[%dma_wait3A_1179, %dma_wait3A_1184] : memref<16x128xi32, #tpu.memory_space<vmem>> -> memref<1x128xi32, #tpu.memory_space<vmem>>
    %dma_wait3A_1186 = tpu.memref_squeeze %dma_wait3A_1185 : memref<1x128xi32, #tpu.memory_space<vmem>> -> memref<128xi32, #tpu.memory_space<vmem>>
    %dma_wait3A_1187 = arith.constant 0 : i32
    %dma_wait3A_1188 = tpu.memref_slice %arg2[%dma_wait3A_1187] : memref<6400000xf32, #tpu.memory_space<hbm>> -> memref<6400000xf32, #tpu.memory_space<hbm>>
    tpu.wait_indirect_dma semaphore(%arg8 : memref<!tpu.dma_semaphore, #tpu.memory_space<semaphore_mem>>) src(%dma_wait3A_1188 : memref<6400000xf32, #tpu.memory_space<hbm>>) dst(%dma_wait3A_1183 : memref<128xf32, #tpu.memory_space<vmem>>)
    %dma_wait3A_1189 = arith.constant 13 : i32
    %dma_wait3A_1190 = arith.constant 13 : i32
    %dma_wait3A_1191 = arith.constant 0 : i32
    %dma_wait3A_1192 = tpu.memref_slice %arg7[%dma_wait3A_1190, %dma_wait3A_1191] : memref<16x128xf32, #tpu.memory_space<vmem>> -> memref<1x128xf32, #tpu.memory_space<vmem>>
    %dma_wait3A_1193 = tpu.memref_squeeze %dma_wait3A_1192 : memref<1x128xf32, #tpu.memory_space<vmem>> -> memref<128xf32, #tpu.memory_space<vmem>>
    %dma_wait3A_1194 = arith.constant 0 : i32
    %dma_wait3A_1195 = tpu.memref_slice %arg6[%dma_wait3A_1189, %dma_wait3A_1194] : memref<16x128xi32, #tpu.memory_space<vmem>> -> memref<1x128xi32, #tpu.memory_space<vmem>>
    %dma_wait3A_1196 = tpu.memref_squeeze %dma_wait3A_1195 : memref<1x128xi32, #tpu.memory_space<vmem>> -> memref<128xi32, #tpu.memory_space<vmem>>
    %dma_wait3A_1197 = arith.constant 0 : i32
    %dma_wait3A_1198 = tpu.memref_slice %arg2[%dma_wait3A_1197] : memref<6400000xf32, #tpu.memory_space<hbm>> -> memref<6400000xf32, #tpu.memory_space<hbm>>
    tpu.wait_indirect_dma semaphore(%arg8 : memref<!tpu.dma_semaphore, #tpu.memory_space<semaphore_mem>>) src(%dma_wait3A_1198 : memref<6400000xf32, #tpu.memory_space<hbm>>) dst(%dma_wait3A_1193 : memref<128xf32, #tpu.memory_space<vmem>>)
    %dma_wait3A_1199 = arith.constant 14 : i32
    %dma_wait3A_1200 = arith.constant 14 : i32
    %dma_wait3A_1201 = arith.constant 0 : i32
    %dma_wait3A_1202 = tpu.memref_slice %arg7[%dma_wait3A_1200, %dma_wait3A_1201] : memref<16x128xf32, #tpu.memory_space<vmem>> -> memref<1x128xf32, #tpu.memory_space<vmem>>
    %dma_wait3A_1203 = tpu.memref_squeeze %dma_wait3A_1202 : memref<1x128xf32, #tpu.memory_space<vmem>> -> memref<128xf32, #tpu.memory_space<vmem>>
    %dma_wait3A_1204 = arith.constant 0 : i32
    %dma_wait3A_1205 = tpu.memref_slice %arg6[%dma_wait3A_1199, %dma_wait3A_1204] : memref<16x128xi32, #tpu.memory_space<vmem>> -> memref<1x128xi32, #tpu.memory_space<vmem>>
    %dma_wait3A_1206 = tpu.memref_squeeze %dma_wait3A_1205 : memref<1x128xi32, #tpu.memory_space<vmem>> -> memref<128xi32, #tpu.memory_space<vmem>>
    %dma_wait3A_1207 = arith.constant 0 : i32
    %dma_wait3A_1208 = tpu.memref_slice %arg2[%dma_wait3A_1207] : memref<6400000xf32, #tpu.memory_space<hbm>> -> memref<6400000xf32, #tpu.memory_space<hbm>>
    tpu.wait_indirect_dma semaphore(%arg8 : memref<!tpu.dma_semaphore, #tpu.memory_space<semaphore_mem>>) src(%dma_wait3A_1208 : memref<6400000xf32, #tpu.memory_space<hbm>>) dst(%dma_wait3A_1203 : memref<128xf32, #tpu.memory_space<vmem>>)
    %dma_wait3A_1209 = arith.constant 15 : i32
    %dma_wait3A_1210 = arith.constant 15 : i32
    %dma_wait3A_1211 = arith.constant 0 : i32
    %dma_wait3A_1212 = tpu.memref_slice %arg7[%dma_wait3A_1210, %dma_wait3A_1211] : memref<16x128xf32, #tpu.memory_space<vmem>> -> memref<1x128xf32, #tpu.memory_space<vmem>>
    %dma_wait3A_1213 = tpu.memref_squeeze %dma_wait3A_1212 : memref<1x128xf32, #tpu.memory_space<vmem>> -> memref<128xf32, #tpu.memory_space<vmem>>
    %dma_wait3A_1214 = arith.constant 0 : i32
    %dma_wait3A_1215 = tpu.memref_slice %arg6[%dma_wait3A_1209, %dma_wait3A_1214] : memref<16x128xi32, #tpu.memory_space<vmem>> -> memref<1x128xi32, #tpu.memory_space<vmem>>
    %dma_wait3A_1216 = tpu.memref_squeeze %dma_wait3A_1215 : memref<1x128xi32, #tpu.memory_space<vmem>> -> memref<128xi32, #tpu.memory_space<vmem>>
    %dma_wait3A_1217 = arith.constant 0 : i32
    %dma_wait3A_1218 = tpu.memref_slice %arg2[%dma_wait3A_1217] : memref<6400000xf32, #tpu.memory_space<hbm>> -> memref<6400000xf32, #tpu.memory_space<hbm>>
    tpu.wait_indirect_dma semaphore(%arg8 : memref<!tpu.dma_semaphore, #tpu.memory_space<semaphore_mem>>) src(%dma_wait3A_1218 : memref<6400000xf32, #tpu.memory_space<hbm>>) dst(%dma_wait3A_1213 : memref<128xf32, #tpu.memory_space<vmem>>)
    %mul3A_1219 = arith.constant 16 : i32
    %mul3A_1220 = arith.muli %add3A, %mul3A_1219 : i32
    "tpu.region"() ({
      %run_scoped3A = tpu.sem_alloc : memref<!tpu.dma_semaphore, #tpu.memory_space<semaphore_mem>>
      %dma_start3A_1221 = arith.constant 0 : i32
      %dma_start3A_1222 = tpu.memref_slice %arg4[%mul3A_1220, %dma_start3A_1221] : memref<512x128xf32, #tpu.memory_space<hbm>> -> memref<16x128xf32, #tpu.memory_space<hbm>>
      %dma_start3A_1223 = arith.constant 0 : i32
      %dma_start3A_1224 = tpu.memref_slice %arg4[%mul3A_1220, %dma_start3A_1223] : memref<512x128xf32, #tpu.memory_space<hbm>> -> memref<16x128xf32, #tpu.memory_space<hbm>>
      tpu.enqueue_dma source(%arg7 : memref<16x128xf32, #tpu.memory_space<vmem>>) target(%dma_start3A_1224 : memref<16x128xf32, #tpu.memory_space<hbm>>) target_semaphore(%run_scoped3A : memref<!tpu.dma_semaphore, #tpu.memory_space<semaphore_mem>>)
      %dma_wait3A_1225 = arith.constant 0 : i32
      %dma_wait3A_1226 = tpu.memref_slice %arg4[%mul3A_1220, %dma_wait3A_1225] : memref<512x128xf32, #tpu.memory_space<hbm>> -> memref<16x128xf32, #tpu.memory_space<hbm>>
      %dma_wait3A_1227 = arith.constant 0 : i32
      %dma_wait3A_1228 = tpu.memref_slice %arg4[%mul3A_1220, %dma_wait3A_1227] : memref<512x128xf32, #tpu.memory_space<hbm>> -> memref<16x128xf32, #tpu.memory_space<hbm>>
      tpu.wait_dma2 semaphore(%run_scoped3A : memref<!tpu.dma_semaphore, #tpu.memory_space<semaphore_mem>>) src(%arg7 : memref<16x128xf32, #tpu.memory_space<vmem>>) dst(%dma_wait3A_1228 : memref<16x128xf32, #tpu.memory_space<hbm>>)
      tpu.yield
    }) : () -> ()
    return
  }
}

module attributes {stable_mosaic.version = 14 : i64} {
  func.func @_lse_body(%arg0: i32, %arg1: memref<1024x65xbf16, #tpu.memory_space<vmem>>, %arg2: memref<65x2048xbf16, #tpu.memory_space<vmem>>, %arg3: memref<1024x1xf32, #tpu.memory_space<vmem>>, %arg4: memref<1024x2048xf32, #tpu.memory_space<vmem>>) attributes {dimension_semantics = [#tpu.dimension_semantics<arbitrary>], iteration_bounds = array<i64: 49>, scalar_prefetch = 0 : i64, scratch_operands = 1 : i64, tpu.core_type = #tpu.core_type<tc>, window_params = [{pipeline_mode = #tpu.pipeline_mode<synchronous>, transform_indices = @transform_0, window_bounds = array<i64: 1024, 65>}, {transform_indices = @transform_1, window_bounds = array<i64: 65, 2048>}, {pipeline_mode = #tpu.pipeline_mode<synchronous>, transform_indices = @transform_2, window_bounds = array<i64: 1024, 1>}]} {
    %get3A = arith.constant 0 : index
    %get3A_0 = arith.constant 0 : index
    %get3A_1 = vector.load %arg1[%get3A, %get3A_0] : memref<1024x65xbf16, #tpu.memory_space<vmem>>, vector<1024x65xbf16>
    %get3A_2 = arith.constant 0 : index
    %get3A_3 = arith.constant 0 : index
    %get3A_4 = vector.load %arg2[%get3A_2, %get3A_3] : memref<65x2048xbf16, #tpu.memory_space<vmem>>, vector<65x2048xbf16>
    %dot_general3A = arith.constant dense<0.000000e+00> : vector<1024x2048xf32>
    %dot_general3A_5 = tpu.matmul %get3A_1, %get3A_4, %dot_general3A {dimension_numbers = #tpu.dot_dimension_numbers<[1], [0], [0], [1], [0, 0, 1, 1], [], []>, transpose_lhs_hint = false} : vector<1024x65xbf16>, vector<65x2048xbf16>, vector<1024x2048xf32> -> vector<1024x2048xf32>
    %eq3A = arith.constant 0 : i32
    %eq3A_6 = arith.cmpi eq, %arg0, %eq3A : i32
    %convert_element_type3A = arith.extui %eq3A_6 : i1 to i32
    %cond3A = arith.constant 0 : i32
    %cond3A_7 = arith.cmpi ne, %convert_element_type3A, %cond3A : i32
    scf.if %cond3A_7 {
      %exp3A = math.exp %dot_general3A_5 : vector<1024x2048xf32>
      %swap3A = arith.constant 0 : index
      %swap3A_18 = arith.constant 0 : index
      %swap3A_19 = vector.load %arg4[%swap3A, %swap3A_18] : memref<1024x2048xf32, #tpu.memory_space<vmem>>, vector<1024x2048xf32>
      tpu.vector_store %arg4[%swap3A, %swap3A_18], %exp3A {strides = array<i32>} : memref<1024x2048xf32, #tpu.memory_space<vmem>>, vector<1024x2048xf32>,
    } else {
    }
    %gt3A = arith.constant 0 : i32
    %gt3A_8 = arith.cmpi sgt, %arg0, %gt3A : i32
    %lt3A = arith.constant 48 : i32
    %lt3A_9 = arith.cmpi slt, %arg0, %lt3A : i32
    %and3A = arith.andi %gt3A_8, %lt3A_9 : i1
    %convert_element_type3A_10 = arith.extui %and3A : i1 to i32
    %cond3A_11 = arith.constant 0 : i32
    %cond3A_12 = arith.cmpi ne, %convert_element_type3A_10, %cond3A_11 : i32
    scf.if %cond3A_12 {
      %get3A_18 = arith.constant 0 : index
      %get3A_19 = arith.constant 0 : index
      %get3A_20 = vector.load %arg4[%get3A_18, %get3A_19] : memref<1024x2048xf32, #tpu.memory_space<vmem>>, vector<1024x2048xf32>
      %exp3A = math.exp %dot_general3A_5 : vector<1024x2048xf32>
      %add3A = arith.addf %get3A_20, %exp3A : vector<1024x2048xf32>
      %swap3A = arith.constant 0 : index
      %swap3A_21 = arith.constant 0 : index
      %swap3A_22 = vector.load %arg4[%swap3A, %swap3A_21] : memref<1024x2048xf32, #tpu.memory_space<vmem>>, vector<1024x2048xf32>
      tpu.vector_store %arg4[%swap3A, %swap3A_21], %add3A {strides = array<i32>} : memref<1024x2048xf32, #tpu.memory_space<vmem>>, vector<1024x2048xf32>,
    } else {
    }
    %eq3A_13 = arith.constant 48 : i32
    %eq3A_14 = arith.cmpi eq, %arg0, %eq3A_13 : i32
    %convert_element_type3A_15 = arith.extui %eq3A_14 : i1 to i32
    %cond3A_16 = arith.constant 0 : i32
    %cond3A_17 = arith.cmpi ne, %convert_element_type3A_15, %cond3A_16 : i32
    scf.if %cond3A_17 {
      %mul3A = arith.constant 2048 : i32
      %mul3A_18 = arith.muli %arg0, %mul3A : i32
      %iota3A = tpu.iota {dimensions = array<i32: 1>} : vector<1024x2048xi32>
      %add3A = vector.broadcast %mul3A_18 : i32 to vector<1024x2048xi32>
      %add3A_19 = arith.addi %add3A, %iota3A : vector<1024x2048xi32>
      %lt3A_20 = arith.constant 100000 : i32
      %lt3A_21 = vector.broadcast %lt3A_20 : i32 to vector<1024x2048xi32>
      %lt3A_22 = arith.cmpi slt, %add3A_19, %lt3A_21 : vector<1024x2048xi32>
      %exp3A = math.exp %dot_general3A_5 : vector<1024x2048xf32>
      %jit3A = arith.constant 0.000000e+00 : f32
      %broadcast_in_dim3A = vector.broadcast %jit3A : f32 to vector<1024x2048xf32>
      %select_n3A = arith.select %lt3A_22, %exp3A, %broadcast_in_dim3A : vector<1024x2048xi1>, vector<1024x2048xf32>
      %get3A_23 = arith.constant 0 : index
      %get3A_24 = arith.constant 0 : index
      %get3A_25 = vector.load %arg4[%get3A_23, %get3A_24] : memref<1024x2048xf32, #tpu.memory_space<vmem>>, vector<1024x2048xf32>
      %add3A_26 = arith.addf %get3A_25, %select_n3A : vector<1024x2048xf32>
      %reduce_sum3A = arith.constant dense<0.000000e+00> : vector<1024xf32>
      %reduce_sum3A_27 = vector.multi_reduction <add>, %add3A_26, %reduce_sum3A [1] : vector<1024x2048xf32> to vector<1024xf32>
      %broadcast_in_dim3A_28 = vector.shape_cast %reduce_sum3A_27 : vector<1024xf32> to vector<1024x1xf32>
      %log3A = math.log %broadcast_in_dim3A_28 : vector<1024x1xf32>
      %swap3A = arith.constant 0 : index
      %swap3A_29 = arith.constant 0 : index
      %swap3A_30 = vector.load %arg3[%swap3A, %swap3A_29] : memref<1024x1xf32, #tpu.memory_space<vmem>>, vector<1024x1xf32>
      tpu.vector_store %arg3[%swap3A, %swap3A_29], %log3A {strides = array<i32>} : memref<1024x1xf32, #tpu.memory_space<vmem>>, vector<1024x1xf32>,
    } else {
    }
    return
  }
  func.func @transform_0(%arg0: i32) -> (i32, i32) {
    %c0_i32 = arith.constant 0 : i32
    %c0_i32_0 = arith.constant 0 : i32
    %c0_i32_1 = arith.constant 0 : i32
    return %c0_i32, %c0_i32_0 : i32, i32
  }
  func.func @transform_1(%arg0: i32) -> (i32, i32) {
    %c0_i32 = arith.constant 0 : i32
    %c0_i32_0 = arith.constant 0 : i32
    return %c0_i32, %arg0 : i32, i32
  }
  func.func @transform_2(%arg0: i32) -> (i32, i32) {
    %c0_i32 = arith.constant 0 : i32
    %c0_i32_0 = arith.constant 0 : i32
    %c0_i32_1 = arith.constant 0 : i32
    return %c0_i32, %c0_i32_0 : i32, i32
  }
}

module attributes {stable_mosaic.version = 14 : i64} {
  func.func @_out_body(%arg0: i32, %arg1: memref<65x1024xbf16, #tpu.memory_space<vmem>>, %arg2: memref<65x2048xbf16, #tpu.memory_space<vmem>>, %arg3: memref<1x1024xf32, #tpu.memory_space<vmem>>, %arg4: memref<2048x1024xf32, #tpu.memory_space<vmem>>) attributes {dimension_semantics = [#tpu.dimension_semantics<arbitrary>], iteration_bounds = array<i64: 49>, scalar_prefetch = 0 : i64, scratch_operands = 0 : i64, tpu.core_type = #tpu.core_type<tc>, window_params = [{pipeline_mode = #tpu.pipeline_mode<synchronous>, transform_indices = @transform_0, window_bounds = array<i64: 65, 1024>}, {transform_indices = @transform_1, window_bounds = array<i64: 65, 2048>}, {pipeline_mode = #tpu.pipeline_mode<synchronous>, transform_indices = @transform_2, window_bounds = array<i64: 1, 1024>}, {transform_indices = @transform_3, window_bounds = array<i64: 2048, 1024>}]} {
    %get3A = arith.constant 0 : index
    %get3A_0 = arith.constant 0 : index
    %get3A_1 = vector.load %arg2[%get3A, %get3A_0] : memref<65x2048xbf16, #tpu.memory_space<vmem>>, vector<65x2048xbf16>
    %get3A_2 = arith.constant 0 : index
    %get3A_3 = arith.constant 0 : index
    %get3A_4 = vector.load %arg1[%get3A_2, %get3A_3] : memref<65x1024xbf16, #tpu.memory_space<vmem>>, vector<65x1024xbf16>
    %dot_general3A = arith.constant dense<0.000000e+00> : vector<2048x1024xf32>
    %dot_general3A_5 = tpu.matmul %get3A_1, %get3A_4, %dot_general3A {dimension_numbers = #tpu.dot_dimension_numbers<[0], [0], [1], [1], [0, 1, 1, 1], [], []>, transpose_lhs_hint = false} : vector<65x2048xbf16>, vector<65x1024xbf16>, vector<2048x1024xf32> -> vector<2048x1024xf32>
    %get3A_6 = arith.constant 0 : index
    %get3A_7 = arith.constant 0 : index
    %get3A_8 = vector.load %arg3[%get3A_6, %get3A_7] : memref<1x1024xf32, #tpu.memory_space<vmem>>, vector<1x1024xf32>
    %sub3A = vector.broadcast %get3A_8 : vector<1x1024xf32> to vector<2048x1024xf32>
    %sub3A_9 = arith.subf %dot_general3A_5, %sub3A : vector<2048x1024xf32>
    %swap3A = arith.constant 0 : index
    %swap3A_10 = arith.constant 0 : index
    %swap3A_11 = vector.load %arg4[%swap3A, %swap3A_10] : memref<2048x1024xf32, #tpu.memory_space<vmem>>, vector<2048x1024xf32>
    tpu.vector_store %arg4[%swap3A, %swap3A_10], %sub3A_9 {strides = array<i32>} : memref<2048x1024xf32, #tpu.memory_space<vmem>>, vector<2048x1024xf32>,
    return
  }
  func.func @transform_0(%arg0: i32) -> (i32, i32) {
    %c0_i32 = arith.constant 0 : i32
    %c0_i32_0 = arith.constant 0 : i32
    %c0_i32_1 = arith.constant 0 : i32
    return %c0_i32, %c0_i32_0 : i32, i32
  }
  func.func @transform_1(%arg0: i32) -> (i32, i32) {
    %c0_i32 = arith.constant 0 : i32
    %c0_i32_0 = arith.constant 0 : i32
    return %c0_i32, %arg0 : i32, i32
  }
  func.func @transform_2(%arg0: i32) -> (i32, i32) {
    %c0_i32 = arith.constant 0 : i32
    %c0_i32_0 = arith.constant 0 : i32
    %c0_i32_1 = arith.constant 0 : i32
    return %c0_i32, %c0_i32_0 : i32, i32
  }
  func.func @transform_3(%arg0: i32) -> (i32, i32) {
    %c0_i32 = arith.constant 0 : i32
    %c0_i32_0 = arith.constant 0 : i32
    return %arg0, %c0_i32 : i32, i32
  }
}

</mosaic_0001>

<sc_bundles>
// kernel: kernel.5.cloned.1.call-start
scs
__scs_entry_jumppad:
0x0: {  	(pc) =	sbr.rel $0x88, $3  }
0x1: {  	(tag) =	ssettag $0x0;
	lr =	simm.s32 $0x1  }
0x2: {  	[smem:$0x3F9D] =	sst lr;
	_ =	strace $0xD0000000  }
0x3: {  	_ = 	snop  }
0x4: {  	_ = 	snop  }
0x5: {  	_ = 	snop  }
0x6: {  	_ = 	snop  }
0x7: {  	_ = 	snop  }
__scs_overlays_trampoline_lowered:
0x8: {  	[smem:$0x3FAC] =	sst s0  }
0x9: {  	[smem:$0x3FAD] =	sst s1  }
0xa: {  	[smem:$0x3FAE] =	sst s2  }
0xb: {  	[smem:$0x3FAF] =	sst s3  }
0xc: {  	[smem:$0x3FB0] =	sst s4  }
0xd: {  	[smem:$0x3FB1] =	sst s5  }
0xe: {  	[smem:$0x3FB2] =	sst s6  }
0xf: {  	[smem:$0x3FB3] =	sst s7  }
0x10: {  	[smem:$0x3FB4] =	sst s8  }
0x11: {  	[smem:$0x3FB5] =	sst s9;
	s0 =	simm.s32 @!p0 $0x0  }
0x12: {  	s1 =	sld [smem:$0x3F9B];
	s0 =	simm.s32 @p0 $0x1  }
0x13: {  	[smem:$0x3FB6] =	sst s0;
	s0 =	simm.s32 @!p1 $0x0  }
0x14: {  	s2 =	sld [smem:$0x3F9A];
	s0 =	simm.s32 @p1 $0x1  }
0x15: {  	[smem:$0x3FB7] =	sst s0;
	s0 =	simm.s32 @!p2 $0x0  }
0x16: {  	s3 =	sld [smem:$0x3FDB];
	s0 =	simm.s32 @p2 $0x1  }
0x17: {  	s4 =	simm.s32 $0x1BF5;
	[smem:$0x3FB9] =	sst s0  }
0x18: {  	s0 =	sld [smem:$0x3F9C];
	_ =	swait.ge [sflag:s4], $0x0  }
0x19: {  	s7 =	sld [smem:$0x3F9D]  }
0x1a: {  	s8 =	sadd.s32 $0xFFFFE003, lr  }
0x1b: {  	s9 =	sadd.s32 $0xFFFFFEF7, lr;
	s5 =	simm.s32 $0xFFFFFFFF;
	p2 =	slt.u32 s8, $0xFFFFF086  }
0x1c: {  	p1 =	slt.u32 s9, $0xF7A;
	s5 =	simm.s32 @!p2 $0x0  }
0x1d: {  	s5 =	simm.s32 @p1 $0x1;
	p0 =	seq.s32 s7, s2  }
0x1e: {  	s7 =	smul.u32 @!p0 $0xF7A, s2;
	p2 =	seq.s32 @!p0 s5, $0x0  }
0x1f: {  	s9 =	smul.u32 $0xF7A, s1;
	s8 =	simm.s32 @!p0 $0x1BF5;
	p2 =	por !p2, p0  }
0x20: {  	[sflag:s8] =	ssyncset.s32 @!p0 $0xFFFFF086;
	s6 =	sadd.s32 @!p0 s3, s7;
	s7 =	simm.s32 @!p0 $0x108  }
0x21: {  	s3 =	sadd.s32 s3, s9;
	s6 =	sadd.s32 @!p0 $0x88, s6;
	s7 =	simm.s32 @p2 $0x1082  }
0x22: {  	[simem:s7], [sflag:s8] =	dma.local @!p0 [hbm:s6], $0xF7A  }
0x23: {  	s9 =	sor.u32 $0xD0000000, s2;
	s6 =	simm.s32 $0x108;
	_ =	swait.ge @!p0 [sflag:s8], $0x0  }
0x24: {  	s3 =	sadd.s32 $0x88, s3;
	s6 =	simm.s32 @!p1 $0x1082;
	[sflag:s4] =	ssyncset.s32 $0xFFFFF086  }
0x25: {  	[simem:s6], [sflag:s4] =	dma.local [hbm:s3], $0xF7A  }
0x26: {  	[smem:$0x3F9D] =	sst s1;
	(tag) =	ssettag s2;
	_ =	strace s9  }
0x27: {  	s1 =	sld [smem:$0x3FAD]  }
0x28: {  	s2 =	sld [smem:$0x3FAE]  }
0x29: {  	s4 =	sld [smem:$0x3FB0]  }
0x2a: {  	p0 =	seq.s32 s5, $0x0;
	s5 =	sld [smem:$0x3FB1]  }
0x2b: {  	s6 =	sld [smem:$0x3FB2]  }
0x2c: {  	s7 =	sld [smem:$0x3FB3]  }
0x2d: {  	s3 =	simm.s32 $0x108;
	s8 =	sld [smem:$0x3FB4]  }
0x2e: {  	s3 =	simm.s32 @!p0 $0x1082;
	s9 =	sld [smem:$0x3FB5]  }
0x2f: {  	lr =	sadd.s32 s0, s3;
	s0 =	sld [smem:$0x3FAC]  }
0x30: {  	s3 =	sld [smem:$0x3FAF]  }
0x31: {  	[smem:$0x3FB8] =	sst s10  }
0x32: {  	s10 =	sld [smem:$0x3FB6];
	_ =	sdelay $0x3  }
0x33: {  	p0 =	seq.s32 s10, $0x1;
	s10 =	sld [smem:$0x3FB8];
	_ =	sdelay $0x3  }
0x34: {  	[smem:$0x3FB8] =	sst s10  }
0x35: {  	s10 =	sld [smem:$0x3FB7];
	_ =	sdelay $0x3  }
0x36: {  	p1 =	seq.s32 s10, $0x1;
	s10 =	sld [smem:$0x3FB8];
	_ =	sdelay $0x3  }
0x37: {  	[smem:$0x3FB8] =	sst s10  }
0x38: {  	s10 =	sld [smem:$0x3FB9]  }
0x39: {  	_ = 	snop;
	(pc) =	sbr.ind lr, $3  }
0x3a: {  	_ = 	snop  }
0x3b: {  	_ = 	snop  }
0x3c: {  	p2 =	seq.s32 s10, $0x1;
	s10 =	sld [smem:$0x3FB8]  }
0x3d: {  	_ =	shalt  }
0x3e: {  	_ =	shalt  }
0x3f: {  	_ =	shalt  }
0x40: {  	_ =	shalt  }
0x41: {  	_ =	shalt  }
0x42: {  	_ =	shalt  }
0x43: {  	_ =	shalt  }
0x44: {  	_ =	shalt  }
0x45: {  	_ =	shalt  }
0x46: {  	_ =	shalt  }
0x47: {  	_ =	shalt  }
0x48: {  	_ =	shalt  }
0x49: {  	_ =	shalt  }
0x4a: {  	_ =	shalt  }
0x4b: {  	_ =	shalt  }
0x4c: {  	_ =	shalt  }
0x4d: {  	_ =	shalt  }
0x4e: {  	_ =	shalt  }
0x4f: {  	_ =	shalt  }
0x50: {  	_ =	shalt  }
0x51: {  	_ =	shalt  }
0x52: {  	_ =	shalt  }
0x53: {  	_ =	shalt  }
0x54: {  	_ =	shalt  }
0x55: {  	_ =	shalt  }
0x56: {  	_ =	shalt  }
0x57: {  	_ =	shalt  }
0x58: {  	_ =	shalt  }
0x59: {  	_ =	shalt  }
0x5a: {  	_ =	shalt  }
0x5b: {  	_ =	shalt  }
0x5c: {  	_ =	shalt  }
0x5d: {  	_ =	shalt  }
0x5e: {  	_ =	shalt  }
0x5f: {  	_ =	shalt  }
0x60: {  	_ =	shalt  }
0x61: {  	_ =	shalt  }
0x62: {  	_ =	shalt  }
0x63: {  	_ =	shalt  }
0x64: {  	_ =	shalt  }
0x65: {  	_ =	shalt  }
0x66: {  	_ =	shalt  }
0x67: {  	_ =	shalt  }
0x68: {  	_ =	shalt  }
0x69: {  	_ =	shalt  }
0x6a: {  	_ =	shalt  }
0x6b: {  	_ =	shalt  }
0x6c: {  	_ =	shalt  }
0x6d: {  	_ =	shalt  }
0x6e: {  	_ =	shalt  }
0x6f: {  	_ =	shalt  }
0x70: {  	_ =	shalt  }
0x71: {  	_ =	shalt  }
0x72: {  	_ =	shalt  }
0x73: {  	_ =	shalt  }
0x74: {  	_ =	shalt  }
0x75: {  	_ =	shalt  }
0x76: {  	_ =	shalt  }
0x77: {  	_ =	shalt  }
0x78: {  	_ =	shalt  }
0x79: {  	_ =	shalt  }
0x7a: {  	_ =	shalt  }
0x7b: {  	_ =	shalt  }
0x7c: {  	_ =	shalt  }
0x7d: {  	_ =	shalt  }
0x7e: {  	_ =	shalt  }
0x7f: {  	_ =	shalt  }
0x80: {  	_ =	shalt  }
0x81: {  	_ =	shalt  }
0x82: {  	_ =	shalt  }
0x83: {  	_ =	shalt  }
0x84: {  	_ =	shalt  }
0x85: {  	_ =	shalt  }
0x86: {  	_ =	shalt  }
0x87: {  	_ =	shalt  }
.Lfunc_end0:
.L_simem_size_0:
called_computation_lowered:
.L_overlay_start_0:
0x88: {  	s2 =	sld [smem:$0x3FD9]  }
0x89: {  	s3 =	sld [smem:$0x3FFE];
	_ =	sdelay $0x1  }
0x8a: {  	s1 =	srdreg.scid  }
0x8b: {  	s0 =	sand.u32 $0x1, s1  }
0x8c: {  	s17 =	sshll.u32 s0, $0xA;
	s2 =	sadd.s32 s3, s2  }
0x8d: {  	s2 =	sadd.s32 s2, s17  }
0x8e: {  	[smem:$0x3FC4] =	sst s2  }
0x8f: {  	_ = 	snop  }
0x90: {  	s2 =	sld [smem:$0x3FD0];
	(tm) =	ssettm $0x1  }
0x91: {  	s18 =	sld [smem:$0x3FFB];
	_ =	sdelay $0x3  }
0x92: {  	_ =	strace s18  }
0x93: {  	s3 =	sld [smem:$0x3FFC];
	_ =	sdelay $0x3  }
0x94: {  	_ =	strace s3  }
0x95: {  	s3 =	sld [smem:$0x3FFD];
	_ =	sdelay $0x3  }
0x96: {  	_ =	strace s3  }
0x97: {  	_ =	strace $0x8FFFFFFF  }
0x98: {  	s19 =	sld [smem:$0x3FDB];
	_ =	sdelay $0x1  }
0x99: {  	s4 =	simm.s32 $_scs_section_size  }
0x9a: {  	s5 =	simm.s32 $_size__tile_overlayer_lowered;
	s6 =	simm.s32 $_tile_overlayer_lowered  }
0x9b: {  	s22 =	simm.s32 $0x1BFF;
	s21 =	sshll.u32 s6, $0x1;
	s3 =	sadd.s32 s4, s19  }
0x9c: {  	s7 =	simm.s32 $0x0;
	s20 =	sshll.u32 s5, $0x1;
	s5 =	sadd.s32 s21, s3  }
0x9d: {  	[timem:s7], [sflag:s22] =	dma.local [hbm:s5], s20  }
0x9e: {  	_ =	swait.ge [sflag:s22], s20  }
0x9f: {  	s4 =	ssub.s32 $0x0, s20;
	[sflag:s22] =	ssyncset.done $0x0  }
0xa0: {  	[sflag:s22] =	ssyncadd.s32 s4;
	_ =	sdelay $0x1  }
0xa1: {  	s23 =	simm.s32 $0x1B8B  }
0xa2: {  	_ =	swait.ge [sflag:s23], $0x1  }
0xa3: {  	[sflag:s23] =	ssyncset.done $0x0  }
0xa4: {  	s25 =	simm.s32 $0x1B8E;
	s24 =	sld [smem:$0x3FFE];
	[sflag:s23] =	ssyncadd.s32 $0xFFFFFFFF  }
0xa5: {  	s26 =	simm.s32 $execute0_lowered;
	[smem:$0x3FD2] =	sst s25  }
0xa6: {  	s5 =	sshll.u32 s26, $0x1;
	_ =	strace $0x80000046;
	[dreg:$0x1] =	wrdreg $0xFFFFFFFF  }
0xa7: {  	s28 =	simm.s32 $_size_execute0_lowered;
	s3 =	sadd.s32 s3, s5;
	[dreg:$0x0] =	wrdreg $0x0  }
0xa8: {  	s5 =	sshll.u32 s28, $0x1;
	[dreg:$0x2] =	wrdreg s3  }
0xa9: {  	[dreg:$0x3] =	wrdreg s5  }
0xaa: {  	[dreg:$0x4] =	wrdreg $0xC0  }
0xab: {  	_ =	task [dreg:s7], $0x5FFFF  }
0xac: {  	[dreg:$0x1] =	wrdreg $0xFFFFFFFF  }
0xad: {  	[dreg:$0x0] =	wrdreg $0x60  }
0xae: {  	[dreg:$0x2] =	wrdreg s2  }
0xaf: {  	[dreg:$0x3] =	wrdreg s24  }
0xb0: {  	[dreg:$0x4] =	wrdreg $0x9  }
0xb1: {  	_ =	task.clear_ibuf [dreg:s7], $0x5FFFF;
	_ =	strace $0x90000046  }
0xb2: {  	s29 =	simm.s32 $0x9;
	_ =	strace $0x80000048  }
0xb3: {  	_ =	swait.ge [sflag:s29], $0x1  }
0xb4: {  	[sflag:s29] =	ssyncadd.s32 $0xFFFFFFFF  }
0xb5: {  	_ =	strace $0x90000048  }
0xb6: {  	_ =	sfence  }
0xb7: {  	s30 =	sld [smem:$0x0];
	_ =	sdelay $0x2  }
0xb8: {  	s31 =	sshll.u32 s1, $0xD;
	s1 =	sshrl.u32 s1, $0x2  }
0xb9: {  	s3 =	sand.u32 $0x4000, s31;
	s1 =	sadd.s32 s1, s30  }
0xba: {  	s0 =	sor.u32 s3, s0;
	s1 =	sshll.u32 s1, $0x11  }
0xbb: {  	s0 =	sor.u32 s1, s0  }
0xbc: {  	s0 =	sadd.s32 $0x8F2B, s0  }
0xbd: {  	[sflag:s0] =	ssyncadd.remote.s32 $0x1  }
0xbe: {  	_ =	sfence.sel $0xFFFF  }
0xbf: {  	[dreg:$0x0] =	wrdreg $0xFFFFFFFF;
	(pc) =	sbr.abs _section_cstart, $3  }
0xc0: {  	[dreg:$0x1] =	wrdreg $0xFFFFFFFF  }
0xc1: {  	_ =	task.clear_ibuf [dreg:s7], $0x2FFFF;
	_ =	strace $0x9FFFFFFF  }
0xc2: {  	(tm) =	ssettm $0x7FFFFFFF  }
0xc3: {  	_ =	shalt  }
tec
execute0_lowered:
.L_overlay_start_1:
0x0: {  	(tag) =	ssettag $0x1  }
0x1: {  	s1 =	srdreg.scid;
	s2 =	rddreg [dreg:$0x0]  }
0x2: {  	s0 =	stileid.u32;
	s4 =	rddreg [dreg:$0x1];
	s18 =	simm.s32 $0x20  }
0x3: {  	s19 =	simm.s32 $0xA0;
	s20 =	simm.s32 $0x8A0;
	s21 =	simm.s32 $0x120  }
0x4: {  	s23 =	simm.s32 $0x920;
	s24 =	simm.s32 $0x1A0;
	s25 =	simm.s32 $0x9A0  }
0x5: {  	s26 =	simm.s32 $0x220;
	s7 =	simm.s32 $0x820;
	s11 =	simm.s32 $0x320  }
0x6: {  	s12 =	simm.s32 $0xB20;
	s1 =	sand.u32 $0x1, s1;
	s3 =	sshll.u32 s0, $0x1  }
0x7: {  	s13 =	simm.s32 $0x3A0;
	s5 =	sor.u32 s1, s3;
	s3 =	simm.s32 $0x0  }
0x8: {  	s14 =	simm.s32 $0xBA0;
	s15 =	simm.s32 $0x420;
	[smem:$0x7FF] =	sst s3  }
0x9: {  	s16 =	simm.s32 $0xC20;
	_ =	strace $0x80000047;
	[dreg:$0x5] =	wrdreg s18  }
0xa: {  	s28 =	simm.s32 $0x720;
	s29 =	simm.s32 $0xF20;
	[dreg:$0x6] =	wrdreg s19  }
0xb: {  	s30 =	simm.s32 $0x7A0;
	s31 =	simm.s32 $0xFA0;
	[dreg:$0x7] =	wrdreg s20  }
0xc: {  	s1 =	ssub.s32 $0x2, s1;
	s6 =	sshll.u32 s5, $0x2;
	[dreg:$0x8] =	wrdreg s21  }
0xd: {  	s5 =	sshll.u32 s5, $0x8;
	s22 =	sshrl.u32 s1, $0x1;
	[dreg:$0x9] =	wrdreg s23  }
0xe: {  	s6 =	sadd.s32 s6, s4;
	s4 =	sadd.s32 s5, s4;
	[dreg:$0xa] =	wrdreg s24  }
0xf: {  	s1 =	ssub.s32 s1, s22;
	s5 =	simm.s32 $0x2;
	[dreg:$0xb] =	wrdreg s25  }
0x10: {  	[dreg:$0xc] =	wrdreg s26;
	s18 =	simm.s32 $0xCA0;
	s19 =	simm.s32 $0x520  }
0x11: {  	s20 =	simm.s32 $0xD20;
	s21 =	simm.s32 $0x5A0;
	s22 =	simm.s32 $0xDA0  }
0x12: {  	s23 =	simm.s32 $0x620;
	s24 =	simm.s32 $0xE20;
	s17 =	sadd.s32 $0x200, s6  }
0x13: {  	s25 =	simm.s32 $0x6A0;
	s4 =	sadd.s32 $0x400, s4;
	[dreg:$0x3] =	wrdreg s17  }
0x14: {  	s26 =	simm.s32 $0xEA0;
	s6 =	simm.s32 $0x80;
	[dreg:$0x4] =	wrdreg s4  }
0x15: {  	s4 =	smax.u32 s1, $0x1;
	s17 =	simm.s32 $0x4A0;
	s1 =	simm.s32 $0x1  }
.LBB2_1:
0x16: {  	s0 =	rddreg [dreg:$0x3]  }
0x17: {  	[tilespmem:s3], [sflag:$0x2] =	stream.linear.gather [hbm4b:s0+s3], $0x20, $0x38;
	[tilespmem:$0x1020] =	vst v63  }
0x18: {  	_ =	swait.ge [sflag:s5], $0x20  }
0x19: {  	[sflag:s5] =	ssyncset.done $0x0  }
0x1a: {  	[sflag:s5] =	ssyncadd.s32 $0xFFFFFFE0  }
0x1b: {  	v1 =	vld [tilespmem:$0x0];
	_ =	sdelay $0x4  }
0x1c: {  	v0 =	vadd.s32 $0x186A0, v1;
	[tilespmem:$0x20] =	vst v1  }
0x1d: {  	v62 =	vadd.s32 $0x30D40, v1;
	[tilespmem:$0x30] =	vst v0  }
0x1e: {  	v63 =	vadd.s32 $0x493E0, v1;
	[tilespmem:$0x40] =	vst v62  }
0x1f: {  	v4 =	vadd.s32 $0x61A80, v1;
	[tilespmem:$0x50] =	vst v63  }
0x20: {  	v5 =	vadd.s32 $0x7A120, v1;
	[tilespmem:$0x60] =	vst v4  }
0x21: {  	v6 =	vadd.s32 $0x927C0, v1;
	[tilespmem:$0x70] =	vst v5  }
0x22: {  	v7 =	vadd.s32 $0xAAE60, v1;
	[tilespmem:$0x80] =	vst v6  }
0x23: {  	v8 =	vadd.s32 $0xC3500, v1;
	[tilespmem:$0x90] =	vst v7  }
0x24: {  	v9 =	vadd.s32 $0xDBBA0, v1;
	[tilespmem:$0xA0] =	vst v8  }
0x25: {  	v10 =	vadd.s32 $0xF4240, v1;
	[tilespmem:$0xB0] =	vst v9  }
0x26: {  	v11 =	vadd.s32 $0x10C8E0, v1;
	[tilespmem:$0xC0] =	vst v10  }
0x27: {  	v12 =	vadd.s32 $0x124F80, v1;
	[tilespmem:$0xD0] =	vst v11  }
0x28: {  	v13 =	vadd.s32 $0x13D620, v1;
	[tilespmem:$0xE0] =	vst v12  }
0x29: {  	v14 =	vadd.s32 $0x155CC0, v1;
	[tilespmem:$0xF0] =	vst v13  }
0x2a: {  	v15 =	vadd.s32 $0x16E360, v1;
	[tilespmem:$0x100] =	vst v14  }
0x2b: {  	v16 =	vadd.s32 $0x186A00, v1;
	[tilespmem:$0x110] =	vst v15  }
0x2c: {  	v17 =	vadd.s32 $0x19F0A0, v1;
	[tilespmem:$0x120] =	vst v16  }
0x2d: {  	v18 =	vadd.s32 $0x1B7740, v1;
	[tilespmem:$0x130] =	vst v17  }
0x2e: {  	v19 =	vadd.s32 $0x1CFDE0, v1;
	[tilespmem:$0x140] =	vst v18  }
0x2f: {  	v20 =	vadd.s32 $0x1E8480, v1;
	[tilespmem:$0x150] =	vst v19  }
0x30: {  	v21 =	vadd.s32 $0x200B20, v1;
	[tilespmem:$0x160] =	vst v20  }
0x31: {  	v22 =	vadd.s32 $0x2191C0, v1;
	[tilespmem:$0x170] =	vst v21  }
0x32: {  	v23 =	vadd.s32 $0x231860, v1;
	[tilespmem:$0x180] =	vst v22  }
0x33: {  	v24 =	vadd.s32 $0x249F00, v1;
	[tilespmem:$0x190] =	vst v23  }
0x34: {  	v25 =	vadd.s32 $0x2625A0, v1;
	[tilespmem:$0x1A0] =	vst v24  }
0x35: {  	v26 =	vadd.s32 $0x27AC40, v1;
	[tilespmem:$0x1B0] =	vst v25  }
0x36: {  	v27 =	vadd.s32 $0x2932E0, v1;
	[tilespmem:$0x1C0] =	vst v26  }
0x37: {  	v28 =	vadd.s32 $0x2AB980, v1;
	[tilespmem:$0x1D0] =	vst v27  }
0x38: {  	v29 =	vadd.s32 $0x2C4020, v1;
	[tilespmem:$0x1E0] =	vst v28  }
0x39: {  	v30 =	vadd.s32 $0x2DC6C0, v1;
	[tilespmem:$0x1F0] =	vst v29  }
0x3a: {  	v31 =	vadd.s32 $0x2F4D60, v1;
	[tilespmem:$0x200] =	vst v30  }
0x3b: {  	v32 =	vadd.s32 $0x30D400, v1;
	[tilespmem:$0x210] =	vst v31  }
0x3c: {  	v33 =	vadd.s32 $0x325AA0, v1;
	[tilespmem:$0x220] =	vst v32  }
0x3d: {  	v34 =	vadd.s32 $0x33E140, v1;
	[tilespmem:$0x230] =	vst v33  }
0x3e: {  	v35 =	vadd.s32 $0x3567E0, v1;
	[tilespmem:$0x240] =	vst v34  }
0x3f: {  	v36 =	vadd.s32 $0x36EE80, v1;
	[tilespmem:$0x250] =	vst v35  }
0x40: {  	v37 =	vadd.s32 $0x387520, v1;
	[tilespmem:$0x260] =	vst v36  }
0x41: {  	v38 =	vadd.s32 $0x39FBC0, v1;
	[tilespmem:$0x270] =	vst v37  }
0x42: {  	v39 =	vadd.s32 $0x3B8260, v1;
	[tilespmem:$0x280] =	vst v38  }
0x43: {  	v40 =	vadd.s32 $0x3D0900, v1;
	[tilespmem:$0x290] =	vst v39  }
0x44: {  	v41 =	vadd.s32 $0x3E8FA0, v1;
	[tilespmem:$0x2A0] =	vst v40  }
0x45: {  	v42 =	vadd.s32 $0x401640, v1;
	[tilespmem:$0x2B0] =	vst v41  }
0x46: {  	v43 =	vadd.s32 $0x419CE0, v1;
	[tilespmem:$0x2C0] =	vst v42  }
0x47: {  	v44 =	vadd.s32 $0x432380, v1;
	[tilespmem:$0x2D0] =	vst v43  }
0x48: {  	v45 =	vadd.s32 $0x44AA20, v1;
	[tilespmem:$0x2E0] =	vst v44  }
0x49: {  	v46 =	vadd.s32 $0x4630C0, v1;
	[tilespmem:$0x2F0] =	vst v45  }
0x4a: {  	v47 =	vadd.s32 $0x47B760, v1;
	[tilespmem:$0x300] =	vst v46  }
0x4b: {  	v48 =	vadd.s32 $0x493E00, v1;
	[tilespmem:$0x310] =	vst v47  }
0x4c: {  	v49 =	vadd.s32 $0x4AC4A0, v1;
	[tilespmem:$0x320] =	vst v48  }
0x4d: {  	v50 =	vadd.s32 $0x4C4B40, v1;
	[tilespmem:$0x330] =	vst v49  }
0x4e: {  	v51 =	vadd.s32 $0x4DD1E0, v1;
	[tilespmem:$0x340] =	vst v50  }
0x4f: {  	v52 =	vadd.s32 $0x4F5880, v1;
	[tilespmem:$0x350] =	vst v51  }
0x50: {  	v53 =	vadd.s32 $0x50DF20, v1;
	[tilespmem:$0x360] =	vst v52  }
0x51: {  	v54 =	vadd.s32 $0x5265C0, v1;
	[tilespmem:$0x370] =	vst v53  }
0x52: {  	v55 =	vadd.s32 $0x53EC60, v1;
	[tilespmem:$0x380] =	vst v54  }
0x53: {  	v56 =	vadd.s32 $0x557300, v1;
	[tilespmem:$0x390] =	vst v55  }
0x54: {  	v57 =	vadd.s32 $0x56F9A0, v1;
	[tilespmem:$0x3A0] =	vst v56  }
0x55: {  	v58 =	vadd.s32 $0x588040, v1;
	[tilespmem:$0x3B0] =	vst v57  }
0x56: {  	v59 =	vadd.s32 $0x5A06E0, v1;
	[tilespmem:$0x3C0] =	vst v58  }
0x57: {  	v60 =	vadd.s32 $0x5B8D80, v1;
	[tilespmem:$0x3D0] =	vst v59;
	v0 =	vld [tilespmem:$0x10]  }
0x58: {  	v2 =	vadd.s32 $0x5D1420, v1;
	[tilespmem:$0x3E0] =	vst v60  }
0x59: {  	v61 =	vadd.s32 $0x5E9AC0, v1;
	[tilespmem:$0x3F0] =	vst v2  }
0x5a: {  	v1 =	vadd.s32 $0x602160, v1;
	[tilespmem:$0x400] =	vst v61  }
0x5b: {  	[tilespmem:$0x410] =	vst v1  }
0x5c: {  	[tilespmem:$0x420] =	vst v0;
	v62 =	vadd.s32 $0x186A0, v0  }
0x5d: {  	v63 =	vadd.s32 $0x30D40, v0;
	[tilespmem:$0x430] =	vst v62  }
0x5e: {  	v4 =	vadd.s32 $0x493E0, v0;
	[tilespmem:$0x440] =	vst v63  }
0x5f: {  	v5 =	vadd.s32 $0x61A80, v0;
	[tilespmem:$0x450] =	vst v4  }
0x60: {  	v6 =	vadd.s32 $0x7A120, v0;
	[tilespmem:$0x460] =	vst v5  }
0x61: {  	v7 =	vadd.s32 $0x927C0, v0;
	[tilespmem:$0x470] =	vst v6  }
0x62: {  	v8 =	vadd.s32 $0xAAE60, v0;
	[tilespmem:$0x480] =	vst v7  }
0x63: {  	v9 =	vadd.s32 $0xC3500, v0;
	[tilespmem:$0x490] =	vst v8  }
0x64: {  	v10 =	vadd.s32 $0xDBBA0, v0;
	[tilespmem:$0x4A0] =	vst v9  }
0x65: {  	v11 =	vadd.s32 $0xF4240, v0;
	[tilespmem:$0x4B0] =	vst v10  }
0x66: {  	v12 =	vadd.s32 $0x10C8E0, v0;
	[tilespmem:$0x4C0] =	vst v11  }
0x67: {  	v13 =	vadd.s32 $0x124F80, v0;
	[tilespmem:$0x4D0] =	vst v12  }
0x68: {  	v14 =	vadd.s32 $0x13D620, v0;
	[tilespmem:$0x4E0] =	vst v13  }
0x69: {  	v15 =	vadd.s32 $0x155CC0, v0;
	[tilespmem:$0x4F0] =	vst v14  }
0x6a: {  	v16 =	vadd.s32 $0x16E360, v0;
	[tilespmem:$0x500] =	vst v15  }
0x6b: {  	v17 =	vadd.s32 $0x186A00, v0;
	[tilespmem:$0x510] =	vst v16  }
0x6c: {  	v18 =	vadd.s32 $0x19F0A0, v0;
	[tilespmem:$0x520] =	vst v17  }
0x6d: {  	v19 =	vadd.s32 $0x1B7740, v0;
	[tilespmem:$0x530] =	vst v18  }
0x6e: {  	v20 =	vadd.s32 $0x1CFDE0, v0;
	[tilespmem:$0x540] =	vst v19  }
0x6f: {  	v21 =	vadd.s32 $0x1E8480, v0;
	[tilespmem:$0x550] =	vst v20  }
0x70: {  	v22 =	vadd.s32 $0x200B20, v0;
	[tilespmem:$0x560] =	vst v21  }
0x71: {  	v23 =	vadd.s32 $0x2191C0, v0;
	[tilespmem:$0x570] =	vst v22  }
0x72: {  	v24 =	vadd.s32 $0x231860, v0;
	[tilespmem:$0x580] =	vst v23  }
0x73: {  	v25 =	vadd.s32 $0x249F00, v0;
	[tilespmem:$0x590] =	vst v24  }
0x74: {  	v26 =	vadd.s32 $0x2625A0, v0;
	[tilespmem:$0x5A0] =	vst v25  }
0x75: {  	v27 =	vadd.s32 $0x27AC40, v0;
	[tilespmem:$0x5B0] =	vst v26  }
0x76: {  	v28 =	vadd.s32 $0x2932E0, v0;
	[tilespmem:$0x5C0] =	vst v27  }
0x77: {  	v29 =	vadd.s32 $0x2AB980, v0;
	[tilespmem:$0x5D0] =	vst v28  }
0x78: {  	v30 =	vadd.s32 $0x2C4020, v0;
	[tilespmem:$0x5E0] =	vst v29  }
0x79: {  	v31 =	vadd.s32 $0x2DC6C0, v0;
	[tilespmem:$0x5F0] =	vst v30  }
0x7a: {  	v32 =	vadd.s32 $0x2F4D60, v0;
	[tilespmem:$0x600] =	vst v31  }
0x7b: {  	v33 =	vadd.s32 $0x30D400, v0;
	[tilespmem:$0x610] =	vst v32  }
0x7c: {  	v34 =	vadd.s32 $0x325AA0, v0;
	[tilespmem:$0x620] =	vst v33  }
0x7d: {  	v35 =	vadd.s32 $0x33E140, v0;
	[tilespmem:$0x630] =	vst v34  }
0x7e: {  	v36 =	vadd.s32 $0x3567E0, v0;
	[tilespmem:$0x640] =	vst v35  }
0x7f: {  	v37 =	vadd.s32 $0x36EE80, v0;
	[tilespmem:$0x650] =	vst v36  }
0x80: {  	v38 =	vadd.s32 $0x387520, v0;
	[tilespmem:$0x660] =	vst v37  }
0x81: {  	v39 =	vadd.s32 $0x39FBC0, v0;
	[tilespmem:$0x670] =	vst v38  }
0x82: {  	v40 =	vadd.s32 $0x3B8260, v0;
	[tilespmem:$0x680] =	vst v39  }
0x83: {  	v41 =	vadd.s32 $0x3D0900, v0;
	[tilespmem:$0x690] =	vst v40  }
0x84: {  	v42 =	vadd.s32 $0x3E8FA0, v0;
	[tilespmem:$0x6A0] =	vst v41  }
0x85: {  	v43 =	vadd.s32 $0x401640, v0;
	[tilespmem:$0x6B0] =	vst v42  }
0x86: {  	v44 =	vadd.s32 $0x419CE0, v0;
	[tilespmem:$0x6C0] =	vst v43  }
0x87: {  	v45 =	vadd.s32 $0x432380, v0;
	[tilespmem:$0x6D0] =	vst v44  }
0x88: {  	v46 =	vadd.s32 $0x44AA20, v0;
	[tilespmem:$0x6E0] =	vst v45  }
0x89: {  	v47 =	vadd.s32 $0x4630C0, v0;
	[tilespmem:$0x6F0] =	vst v46  }
0x8a: {  	v48 =	vadd.s32 $0x47B760, v0;
	[tilespmem:$0x700] =	vst v47  }
0x8b: {  	v49 =	vadd.s32 $0x493E00, v0;
	[tilespmem:$0x710] =	vst v48  }
0x8c: {  	v50 =	vadd.s32 $0x4AC4A0, v0;
	[tilespmem:$0x720] =	vst v49  }
0x8d: {  	v51 =	vadd.s32 $0x4C4B40, v0;
	[tilespmem:$0x730] =	vst v50  }
0x8e: {  	v52 =	vadd.s32 $0x4DD1E0, v0;
	[tilespmem:$0x740] =	vst v51  }
0x8f: {  	v53 =	vadd.s32 $0x4F5880, v0;
	[tilespmem:$0x750] =	vst v52  }
0x90: {  	v54 =	vadd.s32 $0x50DF20, v0;
	[tilespmem:$0x760] =	vst v53  }
0x91: {  	v55 =	vadd.s32 $0x5265C0, v0;
	[tilespmem:$0x770] =	vst v54  }
0x92: {  	v56 =	vadd.s32 $0x53EC60, v0;
	[tilespmem:$0x780] =	vst v55  }
0x93: {  	v57 =	vadd.s32 $0x557300, v0;
	[tilespmem:$0x790] =	vst v56  }
0x94: {  	v58 =	vadd.s32 $0x56F9A0, v0;
	[tilespmem:$0x7A0] =	vst v57  }
0x95: {  	v59 =	vadd.s32 $0x588040, v0;
	[tilespmem:$0x7B0] =	vst v58  }
0x96: {  	v60 =	vadd.s32 $0x5A06E0, v0;
	[tilespmem:$0x7C0] =	vst v59  }
0x97: {  	v61 =	vadd.s32 $0x5B8D80, v0;
	[tilespmem:$0x7D0] =	vst v60  }
0x98: {  	s10 =	rddreg [dreg:$0x5];
	[tilespmem:$0x7E0] =	vst v61;
	v62 =	vadd.s32 $0x5D1420, v0  }
0x99: {  	s8 =	rddreg [dreg:$0x6];
	v63 =	vadd.s32 $0x5E9AC0, v0;
	[tilespmem:$0x7F0] =	vst v62  }
0x9a: {  	s9 =	rddreg [dreg:$0x7];
	v0 =	vadd.s32 $0x602160, v0;
	[tilespmem:$0x800] =	vst v63  }
0x9b: {  	s0 =	rddreg [dreg:$0x8];
	[tilespmem:$0x810] =	vst v0  }
0x9c: {  	[tilespmem:s7], [sflag:$0x1] =	stream.indirect.gather [hbm4b:s2+s6], $0x1, s10, s6, $0xb8;
	[tilespmem:$0x1020] =	vst v63  }
0x9d: {  	s10 =	rddreg [dreg:$0xb]  }
0x9e: {  	[tilespmem:s9], [sflag:$0x1] =	stream.indirect.gather [hbm4b:s2+s6], $0x1, s8, s6, $0xb8;
	[tilespmem:$0x1020] =	vst v63  }
0x9f: {  	s8 =	rddreg [dreg:$0x9]  }
0xa0: {  	[tilespmem:s8], [sflag:$0x1] =	stream.indirect.gather [hbm4b:s2+s6], $0x1, s0, s6, $0xb8;
	[tilespmem:$0x1020] =	vst v63  }
0xa1: {  	s9 =	rddreg [dreg:$0xa]  }
0xa2: {  	[tilespmem:s10], [sflag:$0x1] =	stream.indirect.gather [hbm4b:s2+s6], $0x1, s9, s6, $0xb8;
	[tilespmem:$0x1020] =	vst v63  }
0xa3: {  	s8 =	rddreg [dreg:$0xc];
	s10 =	simm.s32 $0xA20  }
0xa4: {  	[tilespmem:s10], [sflag:$0x1] =	stream.indirect.gather [hbm4b:s2+s6], $0x1, s8, s6, $0xb8;
	[tilespmem:$0x1020] =	vst v63  }
0xa5: {  	s9 =	simm.s32 $0xAA0;
	s8 =	simm.s32 $0x2A0  }
0xa6: {  	[tilespmem:s9], [sflag:$0x1] =	stream.indirect.gather [hbm4b:s2+s6], $0x1, s8, s6, $0xb8;
	[tilespmem:$0x1020] =	vst v63  }
0xa7: {  	_ = 	snop  }
0xa8: {  	[tilespmem:s12], [sflag:$0x1] =	stream.indirect.gather [hbm4b:s2+s6], $0x1, s11, s6, $0xb8;
	[tilespmem:$0x1020] =	vst v63  }
0xa9: {  	_ = 	snop  }
0xaa: {  	[tilespmem:s14], [sflag:$0x1] =	stream.indirect.gather [hbm4b:s2+s6], $0x1, s13, s6, $0xb8;
	[tilespmem:$0x1020] =	vst v63  }
0xab: {  	_ = 	snop  }
0xac: {  	[tilespmem:s16], [sflag:$0x1] =	stream.indirect.gather [hbm4b:s2+s6], $0x1, s15, s6, $0xb8;
	[tilespmem:$0x1020] =	vst v63  }
0xad: {  	_ = 	snop  }
0xae: {  	[tilespmem:s18], [sflag:$0x1] =	stream.indirect.gather [hbm4b:s2+s6], $0x1, s17, s6, $0xb8;
	[tilespmem:$0x1020] =	vst v63  }
0xaf: {  	_ = 	snop  }
0xb0: {  	[tilespmem:s20], [sflag:$0x1] =	stream.indirect.gather [hbm4b:s2+s6], $0x1, s19, s6, $0xb8;
	[tilespmem:$0x1020] =	vst v63  }
0xb1: {  	_ = 	snop  }
0xb2: {  	[tilespmem:s22], [sflag:$0x1] =	stream.indirect.gather [hbm4b:s2+s6], $0x1, s21, s6, $0xb8;
	[tilespmem:$0x1020] =	vst v63  }
0xb3: {  	_ = 	snop  }
0xb4: {  	[tilespmem:s24], [sflag:$0x1] =	stream.indirect.gather [hbm4b:s2+s6], $0x1, s23, s6, $0xb8;
	[tilespmem:$0x1020] =	vst v63  }
0xb5: {  	_ = 	snop  }
0xb6: {  	[tilespmem:s26], [sflag:$0x1] =	stream.indirect.gather [hbm4b:s2+s6], $0x1, s25, s6, $0xb8;
	[tilespmem:$0x1020] =	vst v63  }
0xb7: {  	_ = 	snop  }
0xb8: {  	[tilespmem:s29], [sflag:$0x1] =	stream.indirect.gather [hbm4b:s2+s6], $0x1, s28, s6, $0xb8;
	[tilespmem:$0x1020] =	vst v63  }
0xb9: {  	_ = 	snop  }
0xba: {  	[tilespmem:s31], [sflag:$0x1] =	stream.indirect.gather [hbm4b:s2+s6], $0x1, s30, s6, $0xb8;
	[tilespmem:$0x1020] =	vst v63  }
0xbb: {  	_ =	swait.ge [sflag:s1], $0x80  }
0xbc: {  	[sflag:s1] =	ssyncset.done $0x0  }
0xbd: {  	[sflag:s1] =	ssyncadd.s32 $0xFFFFFF80  }
0xbe: {  	_ =	swait.ge [sflag:s1], $0x80  }
0xbf: {  	[sflag:s1] =	ssyncset.done $0x0  }
0xc0: {  	[sflag:s1] =	ssyncadd.s32 $0xFFFFFF80  }
0xc1: {  	_ =	swait.ge [sflag:s1], $0x80  }
0xc2: {  	[sflag:s1] =	ssyncset.done $0x0  }
0xc3: {  	[sflag:s1] =	ssyncadd.s32 $0xFFFFFF80  }
0xc4: {  	_ =	swait.ge [sflag:s1], $0x80  }
0xc5: {  	[sflag:s1] =	ssyncset.done $0x0  }
0xc6: {  	[sflag:s1] =	ssyncadd.s32 $0xFFFFFF80  }
0xc7: {  	_ =	swait.ge [sflag:s1], $0x80  }
0xc8: {  	[sflag:s1] =	ssyncset.done $0x0  }
0xc9: {  	[sflag:s1] =	ssyncadd.s32 $0xFFFFFF80  }
0xca: {  	_ =	swait.ge [sflag:s1], $0x80  }
0xcb: {  	[sflag:s1] =	ssyncset.done $0x0  }
0xcc: {  	[sflag:s1] =	ssyncadd.s32 $0xFFFFFF80  }
0xcd: {  	_ =	swait.ge [sflag:s1], $0x80  }
0xce: {  	[sflag:s1] =	ssyncset.done $0x0  }
0xcf: {  	[sflag:s1] =	ssyncadd.s32 $0xFFFFFF80  }
0xd0: {  	_ =	swait.ge [sflag:s1], $0x80  }
0xd1: {  	[sflag:s1] =	ssyncset.done $0x0  }
0xd2: {  	[sflag:s1] =	ssyncadd.s32 $0xFFFFFF80  }
0xd3: {  	_ =	swait.ge [sflag:s1], $0x80  }
0xd4: {  	[sflag:s1] =	ssyncset.done $0x0  }
0xd5: {  	[sflag:s1] =	ssyncadd.s32 $0xFFFFFF80  }
0xd6: {  	_ =	swait.ge [sflag:s1], $0x80  }
0xd7: {  	[sflag:s1] =	ssyncset.done $0x0  }
0xd8: {  	[sflag:s1] =	ssyncadd.s32 $0xFFFFFF80  }
0xd9: {  	_ =	swait.ge [sflag:s1], $0x80  }
0xda: {  	[sflag:s1] =	ssyncset.done $0x0  }
0xdb: {  	[sflag:s1] =	ssyncadd.s32 $0xFFFFFF80  }
0xdc: {  	_ =	swait.ge [sflag:s1], $0x80  }
0xdd: {  	[sflag:s1] =	ssyncset.done $0x0  }
0xde: {  	[sflag:s1] =	ssyncadd.s32 $0xFFFFFF80  }
0xdf: {  	_ =	swait.ge [sflag:s1], $0x80  }
0xe0: {  	[sflag:s1] =	ssyncset.done $0x0  }
0xe1: {  	[sflag:s1] =	ssyncadd.s32 $0xFFFFFF80  }
0xe2: {  	_ =	swait.ge [sflag:s1], $0x80  }
0xe3: {  	[sflag:s1] =	ssyncset.done $0x0  }
0xe4: {  	[sflag:s1] =	ssyncadd.s32 $0xFFFFFF80  }
0xe5: {  	_ =	swait.ge [sflag:s1], $0x80  }
0xe6: {  	[sflag:s1] =	ssyncset.done $0x0  }
0xe7: {  	[sflag:s1] =	ssyncadd.s32 $0xFFFFFF80  }
0xe8: {  	_ =	swait.ge [sflag:s1], $0x80  }
0xe9: {  	p0 =	sne.s32 s4, $0x1;
	[sflag:s1] =	ssyncset.done $0x0  }
.Ltmp0:
0xea: {  	s10 =	rddreg [dreg:$0x4];
	[sflag:s1] =	ssyncadd.s32 $0xFFFFFF80;
	(pc) =	sbr.rel @p0 .LBB2_1-.Ltmp0, $4  }
0xeb: {  	[hbm4b:s10+s3] =	stream.linear.scatter [tilespmem:s7], [sflag:$0x2], $0x800, $0x38;
	[tilespmem:$0x1020] =	vst v63  }
0xec: {  	_ =	swait.ge [sflag:s5], $0x800  }
0xed: {  	[sflag:s5] =	ssyncset.done $0x0  }
0xee: {  	s4 =	sadd.s32 $0xFFFFFFFF, s4;
	[sflag:s5] =	ssyncadd.s32 $0xFFFFF800  }
0xef: {  	_ =	sfence.sel $0x180000  }
0xf0: {  	[bflag:$0x0] =	sbarrier.arrive $0xFFFF  }
0xf1: {  	_ =	strace $0x90000047  }
0xf2: {  	s0 =	stileid.u32;
	[bflag:$0x2] =	sbarrier.arrive $0xFFFF  }
0xf3: {  	p0 =	sne.s32 s0, $0x0;
	s0 =	rddreg [dreg:$0x2]  }
0xf4: {  	s0 =	sadd.s32 @!p0 $0x100000, s0  }
0xf5: {  	[sflag:s0] =	ssyncadd.tile.s32 @!p0 $0x1;
	_ =	shalt  }
.Lfunc_end2:
_tile_overlayer_lowered:
.L_overlay_start_2:
0xf6: {  	(tag) =	ssettag $0x2  }
0xf7: {  	s0 =	rddreg [dreg:$0x0];
	s2 =	stileid.u32  }
0xf8: {  	s1 =	rddreg [dreg:$0x1];
	p0 =	sne.s32 s2, $0x0  }
0xf9: {  	s3 =	rddreg [dreg:$0x2];
	[bflag:$0x3] =	sbarrier.arrive $0xFFFF;
	s2 =	simm.s32 @!p0 $0x1C02  }
0xfa: {  	[timem:s3], [sflag:s2] =	dma.local @!p0 [hbm:s0], s1  }
0xfb: {  	s0 =	simm.s32 @!p0 $0x2  }
0xfc: {  	_ =	swait.ge @!p0 [sflag:s0], s1  }
0xfd: {  	s1 =	ssub.s32 @!p0 $0x0, s1;
	[sflag:s0] =	ssyncset.done @!p0 $0x0  }
0xfe: {  	[sflag:s0] =	ssyncadd.s32 @!p0 s1  }
0xff: {  	[bflag:$0x3] =	sbarrier.arrive $0xFFFF  }
0x100: {  	_ =	shalt  }

</sc_bundles>
